<compile_context>
chip_gen: v7x
topology: tpu7x:2x2x1
jax: 0.10.2.dev20260603
libtpu: 0.0.44.dev20260713+nightly
codegen_flags: <defaults>
</compile_context>

<pallas_src>
import functools

import jax
import jax.numpy as jnp
from jax import lax
from jax.experimental import pallas as pl
from jax.experimental.pallas import tpu as pltpu
from jax.experimental.pallas import tpu_sc as plsc

NM = 1000000
B = 16384
TWO_B = 2 * B
D = 20

_info = plsc.get_sparse_core_info()
_NC, _NS, _NL = _info.num_cores, _info.num_subcores, _info.num_lanes
_NW = _NC * _NS
_PAIR_W = B // _NW

_sc_mesh = plsc.VectorSubcoreMesh(core_axis_name="c", subcore_axis_name="s")

_PAIR_SC = B // _NW


@functools.partial(
    pl.kernel,
    mesh=_sc_mesh,
    compiler_params=pltpu.CompilerParams(needs_layout_passes=False),
    out_type=(
        jax.ShapeDtypeStruct((B, 2 * D), jnp.float32),
        jax.ShapeDtypeStruct((B, 2 * D), jnp.float32),
    ),
    scratch_types=[
        pltpu.VMEM((2 * _PAIR_SC,), jnp.int32),
        pltpu.SemaphoreType.DMA,
        pltpu.SemaphoreType.DMA,
    ],
)
def _sc_gather_entity(idx_hbm, ent_hbm, eu_out, ei_out, idx_v, sem, sem2):
    wid = lax.axis_index("s") * _NC + lax.axis_index("c")
    pbase = wid * _PAIR_SC
    pltpu.sync_copy(idx_hbm.at[pl.ds(2 * pbase, 2 * _PAIR_SC)], idx_v)
    lanes = lax.iota(jnp.int32, _NL)

    def body(p, carry):
        j = 2 * p
        vec = idx_v[pl.ds((j // _NL) * _NL, _NL)]
        u = jnp.max(jnp.where(lanes == j % _NL, vec, 0))
        v = jnp.max(jnp.where(lanes == j % _NL + 1, vec, 0))
        gp = pbase + p
        pltpu.async_copy(ent_hbm.at[pl.ds(u, 1)], eu_out.at[pl.ds(gp, 1)], sem)
        pltpu.async_copy(ent_hbm.at[pl.ds(v, 1)], ei_out.at[pl.ds(gp, 1)], sem2)
        return carry

    lax.fori_loop(0, _PAIR_SC, body, 0)
    pltpu.make_async_copy(ent_hbm.at[pl.ds(0, _PAIR_SC)],
                          eu_out.at[pl.ds(pbase, _PAIR_SC)], sem).wait()
    pltpu.make_async_copy(ent_hbm.at[pl.ds(0, _PAIR_SC)],
                          ei_out.at[pl.ds(pbase, _PAIR_SC)], sem2).wait()


_PER_W = TWO_B // _NW
_CHUNK = 128
_NCHUNK = _PER_W // _CHUNK


@functools.partial(
    pl.kernel,
    mesh=_sc_mesh,
    compiler_params=pltpu.CompilerParams(use_tc_tiling_on_sc=False),
    out_type=(
        jax.ShapeDtypeStruct((TWO_B,), jnp.float32),
        jax.ShapeDtypeStruct((TWO_B,), jnp.float32),
    ),
    scratch_types=[
        pltpu.VMEM((_PER_W,), jnp.int32),
        pltpu.VMEM((_PER_W,), jnp.float32),
        pltpu.VMEM((_PER_W,), jnp.float32),
        pltpu.SemaphoreType.DMA,
    ],
)
def _sc_gather_bias(idx_hbm, b0_hbm, b1_hbm, m_out, r_out,
                    idx_v, m_v, r_v, sem):
    wid = lax.axis_index("s") * _NC + lax.axis_index("c")
    base = wid * _PER_W
    pltpu.sync_copy(idx_hbm.at[pl.ds(base, _PER_W)], idx_v)
    copies = []
    for j in range(_NCHUNK):
        sl = pl.ds(j * _CHUNK, _CHUNK)
        copies.append(pltpu.async_copy(b0_hbm.at[idx_v.at[sl]], m_v.at[sl], sem))
        copies.append(pltpu.async_copy(b1_hbm.at[idx_v.at[sl]], r_v.at[sl], sem))
    for c in copies:
        c.wait()
    pltpu.sync_copy(m_v, m_out.at[pl.ds(base, _PER_W)])
    pltpu.sync_copy(r_v, r_out.at[pl.ds(base, _PER_W)])


def _tc_body(eu_ref, ei_ref, m_ref, r_ref, epsb_ref, epse_ref, alpha_ref,
             gb_ref, pred_ref, klb_ref, kle_ref, std_ref):
    eu = eu_ref[...]
    ei = ei_ref[...]
    mu_u, rho_u = eu[:, 0:D], eu[:, D:2 * D]
    mu_i, rho_i = ei[:, 0:D], ei[:, D:2 * D]
    sc_u = jax.nn.softplus(rho_u)
    sc_i = jax.nn.softplus(rho_i)
    eps = epse_ref[...]
    s_u = mu_u + sc_u * eps[:, 0:D]
    s_i = mu_i + sc_i * eps[:, D:2 * D]
    emb = jnp.sum(s_u * s_i, axis=1)

    mb = m_ref[...]
    rb = r_ref[...]
    mu_bu, mu_bi = mb[:, 0], mb[:, 1]
    rho_bu, rho_bi = rb[:, 0], rb[:, 1]
    sb_u = jax.nn.softplus(rho_bu)
    sb_i = jax.nn.softplus(rho_bi)
    epsb = epsb_ref[...]
    pred = (gb_ref[0] + (mu_bu + sb_u * epsb[:, 0])
            + (mu_bi + sb_i * epsb[:, 1]) + emb)
    pred_ref[...] = pred[:, None]

    klb_u = -jnp.log(sb_u) + (sb_u * sb_u + mu_bu * mu_bu) * 0.5 - 0.5
    klb_i = -jnp.log(sb_i) + (sb_i * sb_i + mu_bi * mu_bi) * 0.5 - 0.5
    klb_ref[...] = jnp.stack([klb_u, klb_i], axis=1)

    kle_u = (0.5 * (jnp.sum(sc_u * sc_u + mu_u * mu_u, axis=1) - D)
             - jnp.sum(jnp.log(sc_u), axis=1))
    kle_i = (0.5 * (jnp.sum(sc_i * sc_i + mu_i * mu_i, axis=1) - D)
             - jnp.sum(jnp.log(sc_i), axis=1))
    kle_ref[...] = jnp.stack([kle_u, kle_i], axis=1)

    @pl.when(pl.program_id(0) == 0)
    def _():
        std_ref[...] = jnp.full((1, 1), jnp.sqrt(1.0 / jax.nn.softplus(alpha_ref[0])),
                                dtype=jnp.float32)


_BM = 2048


def _tc_compute(eu, ei, m2, r2, epsb2, epse2, alpha, gb):
    grid = (B // _BM,)
    return pl.pallas_call(
        _tc_body,
        grid=grid,
        in_specs=[
            pl.BlockSpec((_BM, 2 * D), lambda i: (i, 0)),
            pl.BlockSpec((_BM, 2 * D), lambda i: (i, 0)),
            pl.BlockSpec((_BM, 2), lambda i: (i, 0)),
            pl.BlockSpec((_BM, 2), lambda i: (i, 0)),
            pl.BlockSpec((_BM, 2), lambda i: (i, 0)),
            pl.BlockSpec((_BM, 2 * D), lambda i: (i, 0)),
            pl.BlockSpec(memory_space=pltpu.SMEM),
            pl.BlockSpec(memory_space=pltpu.SMEM),
        ],
        out_specs=[
            pl.BlockSpec((_BM, 1), lambda i: (i, 0)),
            pl.BlockSpec((_BM, 2), lambda i: (i, 0)),
            pl.BlockSpec((_BM, 2), lambda i: (i, 0)),
            pl.BlockSpec((1, 1), lambda i: (0, 0)),
        ],
        out_shape=[
            jax.ShapeDtypeStruct((B, 1), jnp.float32),
            jax.ShapeDtypeStruct((B, 2), jnp.float32),
            jax.ShapeDtypeStruct((B, 2), jnp.float32),
            jax.ShapeDtypeStruct((1, 1), jnp.float32),
        ],
    )(eu, ei, m2, r2, epsb2, epse2, alpha, gb)


def kernel(x, bias_table, entity_table, alpha, global_bias):
    idx = x.astype(jnp.int32).reshape(TWO_B)
    eu, ei = _sc_gather_entity(idx, entity_table)
    m_flat, r_flat = _sc_gather_bias(idx, bias_table[:, 0], bias_table[:, 1])
    eps_b = jax.random.normal(jax.random.key(1), (1, TWO_B),
                              dtype=jnp.float32).reshape(B, 2)
    eps_e = jax.random.normal(jax.random.key(2), (1, TWO_B, D),
                              dtype=jnp.float32).reshape(B, 2 * D)
    pred2, klb2, kle2, std2 = _tc_compute(eu, ei, m_flat.reshape(B, 2),
                                          r_flat.reshape(B, 2), eps_b, eps_e,
                                          alpha, global_bias)
    return (pred2.reshape(B), std2.reshape(1),
            klb2.reshape(TWO_B), kle2.reshape(TWO_B))

# --- scband reference (transcript-rebuilt; emitter-appended) ---
"""Pipeline reference for scband-cf-50362786513123 (READ-ONLY COPY).

The authoritative reference and input builder live on the scoring server;
editing this copy changes nothing except your own understanding.
"""

import jax, jax.numpy as jnp
import numpy as np

NM = 1000000
B = 16384
D = 20
N_VARIATIONAL_SAMPLES = 1

def setup_inputs(seed: int = 0) -> dict:
    key = jax.random.key(seed)
    k1, k2, k3 = jax.random.split(key, 3)
    x = jax.random.randint(k1, (B, 2), 0, NM)
    bias_table = jax.random.normal(k2, (NM, 2), dtype=jnp.float32) * 0.1
    entity_table = jax.random.normal(k3, (NM, 2 * D), dtype=jnp.float32) * 0.1
    alpha = jnp.array([1e9], dtype=jnp.float32)
    global_bias = jnp.array([0.0], dtype=jnp.float32)
    return {"x": x, "bias_table": bias_table, "entity_table": entity_table, "alpha": alpha, "global_bias": global_bias}

def reference(x, bias_table, entity_table, alpha, global_bias):
    # embedding lookups (gather)
    bias_batch = jnp.take(bias_table, x, axis=0).reshape(-1, 2)          # [2B, 2]
    entity_batch = jnp.take(entity_table, x, axis=0).reshape(-1, 2 * D)  # [2B, 2D]
    scale_bias = jax.nn.softplus(bias_batch[:, 1])                        # [2B]
    mu_bias = bias_batch[:, 0]                                            # [2B]
    diag_scale_entity = jax.nn.softplus(entity_batch[:, D:])              # [2B, D]
    mu_entity = entity_batch[:, :D]                                       # [2B, D]
    # reparameterized samples (rsample) with fixed noise keys
    eps_b = jax.random.normal(jax.random.key(1), (N_VARIATIONAL_SAMPLES, mu_bias.shape[0]), dtype=jnp.float32)
    eps_e = jax.random.normal(jax.random.key(2), (N_VARIATIONAL_SAMPLES, mu_entity.shape[0], D), dtype=jnp.float32)
    biases = (mu_bias[None, :] + scale_bias[None, :] * eps_b).reshape(N_VARIATIONAL_SAMPLES, -1, 2)            # [S, B, 2]
    entities = (mu_entity[None, :, :] + diag_scale_entity[None, :, :] * eps_e).reshape(N_VARIATIONAL_SAMPLES, -1, 2, D)  # [S, B, 2, D]
    sum_users_items_biases = biases.sum(axis=2).mean(axis=0)              # [B]
    users_items_emb = entities.prod(axis=2).sum(axis=2).mean(axis=0)      # [B]
    std_dev = jnp.sqrt(1.0 / jax.nn.softplus(alpha))
    unscaled_pred = global_bias + sum_users_items_biases + users_items_emb
    # KL( N(mu, sigma) || N(0, 1) ) elementwise
    kl_bias = jnp.log(1.0 / scale_bias) + (scale_bias ** 2 + mu_bias ** 2) / 2.0 - 0.5
    # KL( MVN(mu, diag(sigma)) || MVN(0, I) ) per row
    kl_entity = 0.5 * (jnp.sum(diag_scale_entity ** 2 + mu_entity ** 2, axis=1) - D) - jnp.sum(jnp.log(diag_scale_entity), axis=1)
    return (unscaled_pred, std_dev, kl_bias, kl_entity)

if __name__ == "__main__":
    import jax
    _d = setup_inputs()
    print(jax.jit(kernel)(*tuple(_d.values())))

</pallas_src>

<mosaic_0001>
#map = affine_map<(d0, d1) -> (0)>
module attributes {stable_mosaic.version = 14 : i64} {
  func.func @_sc_gather_bias(%arg0: i32, %arg1: i32, %arg2: memref<32768xi32, #tpu.memory_space<hbm>>, %arg3: memref<1000000xf32, #tpu.memory_space<hbm>>, %arg4: memref<1000000xf32, #tpu.memory_space<hbm>>, %arg5: memref<32768xf32, #tpu.memory_space<hbm>>, %arg6: memref<32768xf32, #tpu.memory_space<hbm>>, %arg7: memref<1024xi32, #tpu.memory_space<vmem>>, %arg8: memref<1024xf32, #tpu.memory_space<vmem>>, %arg9: memref<1024xf32, #tpu.memory_space<vmem>>, %arg10: memref<!tpu.dma_semaphore, #tpu.memory_space<semaphore_mem>>) attributes {dimension_semantics = [#tpu.dimension_semantics<core_parallel>, #tpu.dimension_semantics<subcore_parallel>], iteration_bounds = array<i64: 2, 16>, scalar_prefetch = 0 : i64, scratch_operands = 4 : i64, tpu.core_type = #tpu.core_type<sc_vector_subcore>, window_params = [{transform_indices = #map}, {transform_indices = #map}, {transform_indices = #map}, {transform_indices = #map}, {transform_indices = #map}]} {
    %mul3A = arith.constant 2 : i32
    %mul3A_0 = arith.muli %arg1, %mul3A : i32
    %add3A = arith.addi %mul3A_0, %arg0 : i32
    %mul3A_1 = arith.constant 1024 : i32
    %mul3A_2 = arith.muli %add3A, %mul3A_1 : i32
    "tpu.region"() ({
      %run_scoped3A = tpu.sem_alloc : memref<!tpu.dma_semaphore, #tpu.memory_space<semaphore_mem>>
      %dma_start3A_193 = tpu.memref_slice %arg2[%mul3A_2] : memref<32768xi32, #tpu.memory_space<hbm>> -> memref<1024xi32, #tpu.memory_space<hbm>>
      %dma_start3A_194 = tpu.memref_slice %arg2[%mul3A_2] : memref<32768xi32, #tpu.memory_space<hbm>> -> memref<1024xi32, #tpu.memory_space<hbm>>
      tpu.enqueue_dma source(%dma_start3A_194 : memref<1024xi32, #tpu.memory_space<hbm>>) target(%arg7 : memref<1024xi32, #tpu.memory_space<vmem>>) target_semaphore(%run_scoped3A : memref<!tpu.dma_semaphore, #tpu.memory_space<semaphore_mem>>)
      %dma_wait3A_195 = tpu.memref_slice %arg2[%mul3A_2] : memref<32768xi32, #tpu.memory_space<hbm>> -> memref<1024xi32, #tpu.memory_space<hbm>>
      %dma_wait3A_196 = tpu.memref_slice %arg2[%mul3A_2] : memref<32768xi32, #tpu.memory_space<hbm>> -> memref<1024xi32, #tpu.memory_space<hbm>>
      tpu.wait_dma2 semaphore(%run_scoped3A : memref<!tpu.dma_semaphore, #tpu.memory_space<semaphore_mem>>) src(%dma_wait3A_196 : memref<1024xi32, #tpu.memory_space<hbm>>) dst(%arg7 : memref<1024xi32, #tpu.memory_space<vmem>>)
      tpu.yield
    }) : () -> ()
    %dma_start3A = arith.constant 0 : i32
    %dma_start3A_3 = tpu.memref_slice %arg8[%dma_start3A] : memref<1024xf32, #tpu.memory_space<vmem>> -> memref<128xf32, #tpu.memory_space<vmem>>
    %dma_start3A_4 = arith.constant 0 : i32
    %dma_start3A_5 = tpu.memref_slice %arg7[%dma_start3A_4] : memref<1024xi32, #tpu.memory_space<vmem>> -> memref<128xi32, #tpu.memory_space<vmem>>
    %dma_start3A_6 = arith.constant 0 : i32
    %dma_start3A_7 = tpu.memref_slice %arg3[%dma_start3A_6] : memref<1000000xf32, #tpu.memory_space<hbm>> -> memref<1000000xf32, #tpu.memory_space<hbm>>
    tpu.enqueue_indirect_dma source(%dma_start3A_7 : memref<1000000xf32, #tpu.memory_space<hbm>>) target(%dma_start3A_3 : memref<128xf32, #tpu.memory_space<vmem>>) offsets(%dma_start3A_5 : memref<128xi32, #tpu.memory_space<vmem>>) semaphore(%arg10 : memref<!tpu.dma_semaphore, #tpu.memory_space<semaphore_mem>>)
    %dma_start3A_8 = arith.constant 0 : i32
    %dma_start3A_9 = tpu.memref_slice %arg9[%dma_start3A_8] : memref<1024xf32, #tpu.memory_space<vmem>> -> memref<128xf32, #tpu.memory_space<vmem>>
    %dma_start3A_10 = arith.constant 0 : i32
    %dma_start3A_11 = tpu.memref_slice %arg7[%dma_start3A_10] : memref<1024xi32, #tpu.memory_space<vmem>> -> memref<128xi32, #tpu.memory_space<vmem>>
    %dma_start3A_12 = arith.constant 0 : i32
    %dma_start3A_13 = tpu.memref_slice %arg4[%dma_start3A_12] : memref<1000000xf32, #tpu.memory_space<hbm>> -> memref<1000000xf32, #tpu.memory_space<hbm>>
    tpu.enqueue_indirect_dma source(%dma_start3A_13 : memref<1000000xf32, #tpu.memory_space<hbm>>) target(%dma_start3A_9 : memref<128xf32, #tpu.memory_space<vmem>>) offsets(%dma_start3A_11 : memref<128xi32, #tpu.memory_space<vmem>>) semaphore(%arg10 : memref<!tpu.dma_semaphore, #tpu.memory_space<semaphore_mem>>)
    %dma_start3A_14 = arith.constant 128 : i32
    %dma_start3A_15 = tpu.memref_slice %arg8[%dma_start3A_14] : memref<1024xf32, #tpu.memory_space<vmem>> -> memref<128xf32, #tpu.memory_space<vmem>>
    %dma_start3A_16 = arith.constant 128 : i32
    %dma_start3A_17 = tpu.memref_slice %arg7[%dma_start3A_16] : memref<1024xi32, #tpu.memory_space<vmem>> -> memref<128xi32, #tpu.memory_space<vmem>>
    %dma_start3A_18 = arith.constant 0 : i32
    %dma_start3A_19 = tpu.memref_slice %arg3[%dma_start3A_18] : memref<1000000xf32, #tpu.memory_space<hbm>> -> memref<1000000xf32, #tpu.memory_space<hbm>>
    tpu.enqueue_indirect_dma source(%dma_start3A_19 : memref<1000000xf32, #tpu.memory_space<hbm>>) target(%dma_start3A_15 : memref<128xf32, #tpu.memory_space<vmem>>) offsets(%dma_start3A_17 : memref<128xi32, #tpu.memory_space<vmem>>) semaphore(%arg10 : memref<!tpu.dma_semaphore, #tpu.memory_space<semaphore_mem>>)
    %dma_start3A_20 = arith.constant 128 : i32
    %dma_start3A_21 = tpu.memref_slice %arg9[%dma_start3A_20] : memref<1024xf32, #tpu.memory_space<vmem>> -> memref<128xf32, #tpu.memory_space<vmem>>
    %dma_start3A_22 = arith.constant 128 : i32
    %dma_start3A_23 = tpu.memref_slice %arg7[%dma_start3A_22] : memref<1024xi32, #tpu.memory_space<vmem>> -> memref<128xi32, #tpu.memory_space<vmem>>
    %dma_start3A_24 = arith.constant 0 : i32
    %dma_start3A_25 = tpu.memref_slice %arg4[%dma_start3A_24] : memref<1000000xf32, #tpu.memory_space<hbm>> -> memref<1000000xf32, #tpu.memory_space<hbm>>
    tpu.enqueue_indirect_dma source(%dma_start3A_25 : memref<1000000xf32, #tpu.memory_space<hbm>>) target(%dma_start3A_21 : memref<128xf32, #tpu.memory_space<vmem>>) offsets(%dma_start3A_23 : memref<128xi32, #tpu.memory_space<vmem>>) semaphore(%arg10 : memref<!tpu.dma_semaphore, #tpu.memory_space<semaphore_mem>>)
    %dma_start3A_26 = arith.constant 256 : i32
    %dma_start3A_27 = tpu.memref_slice %arg8[%dma_start3A_26] : memref<1024xf32, #tpu.memory_space<vmem>> -> memref<128xf32, #tpu.memory_space<vmem>>
    %dma_start3A_28 = arith.constant 256 : i32
    %dma_start3A_29 = tpu.memref_slice %arg7[%dma_start3A_28] : memref<1024xi32, #tpu.memory_space<vmem>> -> memref<128xi32, #tpu.memory_space<vmem>>
    %dma_start3A_30 = arith.constant 0 : i32
    %dma_start3A_31 = tpu.memref_slice %arg3[%dma_start3A_30] : memref<1000000xf32, #tpu.memory_space<hbm>> -> memref<1000000xf32, #tpu.memory_space<hbm>>
    tpu.enqueue_indirect_dma source(%dma_start3A_31 : memref<1000000xf32, #tpu.memory_space<hbm>>) target(%dma_start3A_27 : memref<128xf32, #tpu.memory_space<vmem>>) offsets(%dma_start3A_29 : memref<128xi32, #tpu.memory_space<vmem>>) semaphore(%arg10 : memref<!tpu.dma_semaphore, #tpu.memory_space<semaphore_mem>>)
    %dma_start3A_32 = arith.constant 256 : i32
    %dma_start3A_33 = tpu.memref_slice %arg9[%dma_start3A_32] : memref<1024xf32, #tpu.memory_space<vmem>> -> memref<128xf32, #tpu.memory_space<vmem>>
    %dma_start3A_34 = arith.constant 256 : i32
    %dma_start3A_35 = tpu.memref_slice %arg7[%dma_start3A_34] : memref<1024xi32, #tpu.memory_space<vmem>> -> memref<128xi32, #tpu.memory_space<vmem>>
    %dma_start3A_36 = arith.constant 0 : i32
    %dma_start3A_37 = tpu.memref_slice %arg4[%dma_start3A_36] : memref<1000000xf32, #tpu.memory_space<hbm>> -> memref<1000000xf32, #tpu.memory_space<hbm>>
    tpu.enqueue_indirect_dma source(%dma_start3A_37 : memref<1000000xf32, #tpu.memory_space<hbm>>) target(%dma_start3A_33 : memref<128xf32, #tpu.memory_space<vmem>>) offsets(%dma_start3A_35 : memref<128xi32, #tpu.memory_space<vmem>>) semaphore(%arg10 : memref<!tpu.dma_semaphore, #tpu.memory_space<semaphore_mem>>)
    %dma_start3A_38 = arith.constant 384 : i32
    %dma_start3A_39 = tpu.memref_slice %arg8[%dma_start3A_38] : memref<1024xf32, #tpu.memory_space<vmem>> -> memref<128xf32, #tpu.memory_space<vmem>>
    %dma_start3A_40 = arith.constant 384 : i32
    %dma_start3A_41 = tpu.memref_slice %arg7[%dma_start3A_40] : memref<1024xi32, #tpu.memory_space<vmem>> -> memref<128xi32, #tpu.memory_space<vmem>>
    %dma_start3A_42 = arith.constant 0 : i32
    %dma_start3A_43 = tpu.memref_slice %arg3[%dma_start3A_42] : memref<1000000xf32, #tpu.memory_space<hbm>> -> memref<1000000xf32, #tpu.memory_space<hbm>>
    tpu.enqueue_indirect_dma source(%dma_start3A_43 : memref<1000000xf32, #tpu.memory_space<hbm>>) target(%dma_start3A_39 : memref<128xf32, #tpu.memory_space<vmem>>) offsets(%dma_start3A_41 : memref<128xi32, #tpu.memory_space<vmem>>) semaphore(%arg10 : memref<!tpu.dma_semaphore, #tpu.memory_space<semaphore_mem>>)
    %dma_start3A_44 = arith.constant 384 : i32
    %dma_start3A_45 = tpu.memref_slice %arg9[%dma_start3A_44] : memref<1024xf32, #tpu.memory_space<vmem>> -> memref<128xf32, #tpu.memory_space<vmem>>
    %dma_start3A_46 = arith.constant 384 : i32
    %dma_start3A_47 = tpu.memref_slice %arg7[%dma_start3A_46] : memref<1024xi32, #tpu.memory_space<vmem>> -> memref<128xi32, #tpu.memory_space<vmem>>
    %dma_start3A_48 = arith.constant 0 : i32
    %dma_start3A_49 = tpu.memref_slice %arg4[%dma_start3A_48] : memref<1000000xf32, #tpu.memory_space<hbm>> -> memref<1000000xf32, #tpu.memory_space<hbm>>
    tpu.enqueue_indirect_dma source(%dma_start3A_49 : memref<1000000xf32, #tpu.memory_space<hbm>>) target(%dma_start3A_45 : memref<128xf32, #tpu.memory_space<vmem>>) offsets(%dma_start3A_47 : memref<128xi32, #tpu.memory_space<vmem>>) semaphore(%arg10 : memref<!tpu.dma_semaphore, #tpu.memory_space<semaphore_mem>>)
    %dma_start3A_50 = arith.constant 512 : i32
    %dma_start3A_51 = tpu.memref_slice %arg8[%dma_start3A_50] : memref<1024xf32, #tpu.memory_space<vmem>> -> memref<128xf32, #tpu.memory_space<vmem>>
    %dma_start3A_52 = arith.constant 512 : i32
    %dma_start3A_53 = tpu.memref_slice %arg7[%dma_start3A_52] : memref<1024xi32, #tpu.memory_space<vmem>> -> memref<128xi32, #tpu.memory_space<vmem>>
    %dma_start3A_54 = arith.constant 0 : i32
    %dma_start3A_55 = tpu.memref_slice %arg3[%dma_start3A_54] : memref<1000000xf32, #tpu.memory_space<hbm>> -> memref<1000000xf32, #tpu.memory_space<hbm>>
    tpu.enqueue_indirect_dma source(%dma_start3A_55 : memref<1000000xf32, #tpu.memory_space<hbm>>) target(%dma_start3A_51 : memref<128xf32, #tpu.memory_space<vmem>>) offsets(%dma_start3A_53 : memref<128xi32, #tpu.memory_space<vmem>>) semaphore(%arg10 : memref<!tpu.dma_semaphore, #tpu.memory_space<semaphore_mem>>)
    %dma_start3A_56 = arith.constant 512 : i32
    %dma_start3A_57 = tpu.memref_slice %arg9[%dma_start3A_56] : memref<1024xf32, #tpu.memory_space<vmem>> -> memref<128xf32, #tpu.memory_space<vmem>>
    %dma_start3A_58 = arith.constant 512 : i32
    %dma_start3A_59 = tpu.memref_slice %arg7[%dma_start3A_58] : memref<1024xi32, #tpu.memory_space<vmem>> -> memref<128xi32, #tpu.memory_space<vmem>>
    %dma_start3A_60 = arith.constant 0 : i32
    %dma_start3A_61 = tpu.memref_slice %arg4[%dma_start3A_60] : memref<1000000xf32, #tpu.memory_space<hbm>> -> memref<1000000xf32, #tpu.memory_space<hbm>>
    tpu.enqueue_indirect_dma source(%dma_start3A_61 : memref<1000000xf32, #tpu.memory_space<hbm>>) target(%dma_start3A_57 : memref<128xf32, #tpu.memory_space<vmem>>) offsets(%dma_start3A_59 : memref<128xi32, #tpu.memory_space<vmem>>) semaphore(%arg10 : memref<!tpu.dma_semaphore, #tpu.memory_space<semaphore_mem>>)
    %dma_start3A_62 = arith.constant 640 : i32
    %dma_start3A_63 = tpu.memref_slice %arg8[%dma_start3A_62] : memref<1024xf32, #tpu.memory_space<vmem>> -> memref<128xf32, #tpu.memory_space<vmem>>
    %dma_start3A_64 = arith.constant 640 : i32
    %dma_start3A_65 = tpu.memref_slice %arg7[%dma_start3A_64] : memref<1024xi32, #tpu.memory_space<vmem>> -> memref<128xi32, #tpu.memory_space<vmem>>
    %dma_start3A_66 = arith.constant 0 : i32
    %dma_start3A_67 = tpu.memref_slice %arg3[%dma_start3A_66] : memref<1000000xf32, #tpu.memory_space<hbm>> -> memref<1000000xf32, #tpu.memory_space<hbm>>
    tpu.enqueue_indirect_dma source(%dma_start3A_67 : memref<1000000xf32, #tpu.memory_space<hbm>>) target(%dma_start3A_63 : memref<128xf32, #tpu.memory_space<vmem>>) offsets(%dma_start3A_65 : memref<128xi32, #tpu.memory_space<vmem>>) semaphore(%arg10 : memref<!tpu.dma_semaphore, #tpu.memory_space<semaphore_mem>>)
    %dma_start3A_68 = arith.constant 640 : i32
    %dma_start3A_69 = tpu.memref_slice %arg9[%dma_start3A_68] : memref<1024xf32, #tpu.memory_space<vmem>> -> memref<128xf32, #tpu.memory_space<vmem>>
    %dma_start3A_70 = arith.constant 640 : i32
    %dma_start3A_71 = tpu.memref_slice %arg7[%dma_start3A_70] : memref<1024xi32, #tpu.memory_space<vmem>> -> memref<128xi32, #tpu.memory_space<vmem>>
    %dma_start3A_72 = arith.constant 0 : i32
    %dma_start3A_73 = tpu.memref_slice %arg4[%dma_start3A_72] : memref<1000000xf32, #tpu.memory_space<hbm>> -> memref<1000000xf32, #tpu.memory_space<hbm>>
    tpu.enqueue_indirect_dma source(%dma_start3A_73 : memref<1000000xf32, #tpu.memory_space<hbm>>) target(%dma_start3A_69 : memref<128xf32, #tpu.memory_space<vmem>>) offsets(%dma_start3A_71 : memref<128xi32, #tpu.memory_space<vmem>>) semaphore(%arg10 : memref<!tpu.dma_semaphore, #tpu.memory_space<semaphore_mem>>)
    %dma_start3A_74 = arith.constant 768 : i32
    %dma_start3A_75 = tpu.memref_slice %arg8[%dma_start3A_74] : memref<1024xf32, #tpu.memory_space<vmem>> -> memref<128xf32, #tpu.memory_space<vmem>>
    %dma_start3A_76 = arith.constant 768 : i32
    %dma_start3A_77 = tpu.memref_slice %arg7[%dma_start3A_76] : memref<1024xi32, #tpu.memory_space<vmem>> -> memref<128xi32, #tpu.memory_space<vmem>>
    %dma_start3A_78 = arith.constant 0 : i32
    %dma_start3A_79 = tpu.memref_slice %arg3[%dma_start3A_78] : memref<1000000xf32, #tpu.memory_space<hbm>> -> memref<1000000xf32, #tpu.memory_space<hbm>>
    tpu.enqueue_indirect_dma source(%dma_start3A_79 : memref<1000000xf32, #tpu.memory_space<hbm>>) target(%dma_start3A_75 : memref<128xf32, #tpu.memory_space<vmem>>) offsets(%dma_start3A_77 : memref<128xi32, #tpu.memory_space<vmem>>) semaphore(%arg10 : memref<!tpu.dma_semaphore, #tpu.memory_space<semaphore_mem>>)
    %dma_start3A_80 = arith.constant 768 : i32
    %dma_start3A_81 = tpu.memref_slice %arg9[%dma_start3A_80] : memref<1024xf32, #tpu.memory_space<vmem>> -> memref<128xf32, #tpu.memory_space<vmem>>
    %dma_start3A_82 = arith.constant 768 : i32
    %dma_start3A_83 = tpu.memref_slice %arg7[%dma_start3A_82] : memref<1024xi32, #tpu.memory_space<vmem>> -> memref<128xi32, #tpu.memory_space<vmem>>
    %dma_start3A_84 = arith.constant 0 : i32
    %dma_start3A_85 = tpu.memref_slice %arg4[%dma_start3A_84] : memref<1000000xf32, #tpu.memory_space<hbm>> -> memref<1000000xf32, #tpu.memory_space<hbm>>
    tpu.enqueue_indirect_dma source(%dma_start3A_85 : memref<1000000xf32, #tpu.memory_space<hbm>>) target(%dma_start3A_81 : memref<128xf32, #tpu.memory_space<vmem>>) offsets(%dma_start3A_83 : memref<128xi32, #tpu.memory_space<vmem>>) semaphore(%arg10 : memref<!tpu.dma_semaphore, #tpu.memory_space<semaphore_mem>>)
    %dma_start3A_86 = arith.constant 896 : i32
    %dma_start3A_87 = tpu.memref_slice %arg8[%dma_start3A_86] : memref<1024xf32, #tpu.memory_space<vmem>> -> memref<128xf32, #tpu.memory_space<vmem>>
    %dma_start3A_88 = arith.constant 896 : i32
    %dma_start3A_89 = tpu.memref_slice %arg7[%dma_start3A_88] : memref<1024xi32, #tpu.memory_space<vmem>> -> memref<128xi32, #tpu.memory_space<vmem>>
    %dma_start3A_90 = arith.constant 0 : i32
    %dma_start3A_91 = tpu.memref_slice %arg3[%dma_start3A_90] : memref<1000000xf32, #tpu.memory_space<hbm>> -> memref<1000000xf32, #tpu.memory_space<hbm>>
    tpu.enqueue_indirect_dma source(%dma_start3A_91 : memref<1000000xf32, #tpu.memory_space<hbm>>) target(%dma_start3A_87 : memref<128xf32, #tpu.memory_space<vmem>>) offsets(%dma_start3A_89 : memref<128xi32, #tpu.memory_space<vmem>>) semaphore(%arg10 : memref<!tpu.dma_semaphore, #tpu.memory_space<semaphore_mem>>)
    %dma_start3A_92 = arith.constant 896 : i32
    %dma_start3A_93 = tpu.memref_slice %arg9[%dma_start3A_92] : memref<1024xf32, #tpu.memory_space<vmem>> -> memref<128xf32, #tpu.memory_space<vmem>>
    %dma_start3A_94 = arith.constant 896 : i32
    %dma_start3A_95 = tpu.memref_slice %arg7[%dma_start3A_94] : memref<1024xi32, #tpu.memory_space<vmem>> -> memref<128xi32, #tpu.memory_space<vmem>>
    %dma_start3A_96 = arith.constant 0 : i32
    %dma_start3A_97 = tpu.memref_slice %arg4[%dma_start3A_96] : memref<1000000xf32, #tpu.memory_space<hbm>> -> memref<1000000xf32, #tpu.memory_space<hbm>>
    tpu.enqueue_indirect_dma source(%dma_start3A_97 : memref<1000000xf32, #tpu.memory_space<hbm>>) target(%dma_start3A_93 : memref<128xf32, #tpu.memory_space<vmem>>) offsets(%dma_start3A_95 : memref<128xi32, #tpu.memory_space<vmem>>) semaphore(%arg10 : memref<!tpu.dma_semaphore, #tpu.memory_space<semaphore_mem>>)
    %dma_wait3A = arith.constant 0 : i32
    %dma_wait3A_98 = tpu.memref_slice %arg8[%dma_wait3A] : memref<1024xf32, #tpu.memory_space<vmem>> -> memref<128xf32, #tpu.memory_space<vmem>>
    %dma_wait3A_99 = arith.constant 0 : i32
    %dma_wait3A_100 = tpu.memref_slice %arg7[%dma_wait3A_99] : memref<1024xi32, #tpu.memory_space<vmem>> -> memref<128xi32, #tpu.memory_space<vmem>>
    %dma_wait3A_101 = arith.constant 0 : i32
    %dma_wait3A_102 = tpu.memref_slice %arg3[%dma_wait3A_101] : memref<1000000xf32, #tpu.memory_space<hbm>> -> memref<1000000xf32, #tpu.memory_space<hbm>>
    tpu.wait_indirect_dma semaphore(%arg10 : memref<!tpu.dma_semaphore, #tpu.memory_space<semaphore_mem>>) src(%dma_wait3A_102 : memref<1000000xf32, #tpu.memory_space<hbm>>) dst(%dma_wait3A_98 : memref<128xf32, #tpu.memory_space<vmem>>)
    %dma_wait3A_103 = arith.constant 0 : i32
    %dma_wait3A_104 = tpu.memref_slice %arg9[%dma_wait3A_103] : memref<1024xf32, #tpu.memory_space<vmem>> -> memref<128xf32, #tpu.memory_space<vmem>>
    %dma_wait3A_105 = arith.constant 0 : i32
    %dma_wait3A_106 = tpu.memref_slice %arg7[%dma_wait3A_105] : memref<1024xi32, #tpu.memory_space<vmem>> -> memref<128xi32, #tpu.memory_space<vmem>>
    %dma_wait3A_107 = arith.constant 0 : i32
    %dma_wait3A_108 = tpu.memref_slice %arg4[%dma_wait3A_107] : memref<1000000xf32, #tpu.memory_space<hbm>> -> memref<1000000xf32, #tpu.memory_space<hbm>>
    tpu.wait_indirect_dma semaphore(%arg10 : memref<!tpu.dma_semaphore, #tpu.memory_space<semaphore_mem>>) src(%dma_wait3A_108 : memref<1000000xf32, #tpu.memory_space<hbm>>) dst(%dma_wait3A_104 : memref<128xf32, #tpu.memory_space<vmem>>)
    %dma_wait3A_109 = arith.constant 128 : i32
    %dma_wait3A_110 = tpu.memref_slice %arg8[%dma_wait3A_109] : memref<1024xf32, #tpu.memory_space<vmem>> -> memref<128xf32, #tpu.memory_space<vmem>>
    %dma_wait3A_111 = arith.constant 128 : i32
    %dma_wait3A_112 = tpu.memref_slice %arg7[%dma_wait3A_111] : memref<1024xi32, #tpu.memory_space<vmem>> -> memref<128xi32, #tpu.memory_space<vmem>>
    %dma_wait3A_113 = arith.constant 0 : i32
    %dma_wait3A_114 = tpu.memref_slice %arg3[%dma_wait3A_113] : memref<1000000xf32, #tpu.memory_space<hbm>> -> memref<1000000xf32, #tpu.memory_space<hbm>>
    tpu.wait_indirect_dma semaphore(%arg10 : memref<!tpu.dma_semaphore, #tpu.memory_space<semaphore_mem>>) src(%dma_wait3A_114 : memref<1000000xf32, #tpu.memory_space<hbm>>) dst(%dma_wait3A_110 : memref<128xf32, #tpu.memory_space<vmem>>)
    %dma_wait3A_115 = arith.constant 128 : i32
    %dma_wait3A_116 = tpu.memref_slice %arg9[%dma_wait3A_115] : memref<1024xf32, #tpu.memory_space<vmem>> -> memref<128xf32, #tpu.memory_space<vmem>>
    %dma_wait3A_117 = arith.constant 128 : i32
    %dma_wait3A_118 = tpu.memref_slice %arg7[%dma_wait3A_117] : memref<1024xi32, #tpu.memory_space<vmem>> -> memref<128xi32, #tpu.memory_space<vmem>>
    %dma_wait3A_119 = arith.constant 0 : i32
    %dma_wait3A_120 = tpu.memref_slice %arg4[%dma_wait3A_119] : memref<1000000xf32, #tpu.memory_space<hbm>> -> memref<1000000xf32, #tpu.memory_space<hbm>>
    tpu.wait_indirect_dma semaphore(%arg10 : memref<!tpu.dma_semaphore, #tpu.memory_space<semaphore_mem>>) src(%dma_wait3A_120 : memref<1000000xf32, #tpu.memory_space<hbm>>) dst(%dma_wait3A_116 : memref<128xf32, #tpu.memory_space<vmem>>)
    %dma_wait3A_121 = arith.constant 256 : i32
    %dma_wait3A_122 = tpu.memref_slice %arg8[%dma_wait3A_121] : memref<1024xf32, #tpu.memory_space<vmem>> -> memref<128xf32, #tpu.memory_space<vmem>>
    %dma_wait3A_123 = arith.constant 256 : i32
    %dma_wait3A_124 = tpu.memref_slice %arg7[%dma_wait3A_123] : memref<1024xi32, #tpu.memory_space<vmem>> -> memref<128xi32, #tpu.memory_space<vmem>>
    %dma_wait3A_125 = arith.constant 0 : i32
    %dma_wait3A_126 = tpu.memref_slice %arg3[%dma_wait3A_125] : memref<1000000xf32, #tpu.memory_space<hbm>> -> memref<1000000xf32, #tpu.memory_space<hbm>>
    tpu.wait_indirect_dma semaphore(%arg10 : memref<!tpu.dma_semaphore, #tpu.memory_space<semaphore_mem>>) src(%dma_wait3A_126 : memref<1000000xf32, #tpu.memory_space<hbm>>) dst(%dma_wait3A_122 : memref<128xf32, #tpu.memory_space<vmem>>)
    %dma_wait3A_127 = arith.constant 256 : i32
    %dma_wait3A_128 = tpu.memref_slice %arg9[%dma_wait3A_127] : memref<1024xf32, #tpu.memory_space<vmem>> -> memref<128xf32, #tpu.memory_space<vmem>>
    %dma_wait3A_129 = arith.constant 256 : i32
    %dma_wait3A_130 = tpu.memref_slice %arg7[%dma_wait3A_129] : memref<1024xi32, #tpu.memory_space<vmem>> -> memref<128xi32, #tpu.memory_space<vmem>>
    %dma_wait3A_131 = arith.constant 0 : i32
    %dma_wait3A_132 = tpu.memref_slice %arg4[%dma_wait3A_131] : memref<1000000xf32, #tpu.memory_space<hbm>> -> memref<1000000xf32, #tpu.memory_space<hbm>>
    tpu.wait_indirect_dma semaphore(%arg10 : memref<!tpu.dma_semaphore, #tpu.memory_space<semaphore_mem>>) src(%dma_wait3A_132 : memref<1000000xf32, #tpu.memory_space<hbm>>) dst(%dma_wait3A_128 : memref<128xf32, #tpu.memory_space<vmem>>)
    %dma_wait3A_133 = arith.constant 384 : i32
    %dma_wait3A_134 = tpu.memref_slice %arg8[%dma_wait3A_133] : memref<1024xf32, #tpu.memory_space<vmem>> -> memref<128xf32, #tpu.memory_space<vmem>>
    %dma_wait3A_135 = arith.constant 384 : i32
    %dma_wait3A_136 = tpu.memref_slice %arg7[%dma_wait3A_135] : memref<1024xi32, #tpu.memory_space<vmem>> -> memref<128xi32, #tpu.memory_space<vmem>>
    %dma_wait3A_137 = arith.constant 0 : i32
    %dma_wait3A_138 = tpu.memref_slice %arg3[%dma_wait3A_137] : memref<1000000xf32, #tpu.memory_space<hbm>> -> memref<1000000xf32, #tpu.memory_space<hbm>>
    tpu.wait_indirect_dma semaphore(%arg10 : memref<!tpu.dma_semaphore, #tpu.memory_space<semaphore_mem>>) src(%dma_wait3A_138 : memref<1000000xf32, #tpu.memory_space<hbm>>) dst(%dma_wait3A_134 : memref<128xf32, #tpu.memory_space<vmem>>)
    %dma_wait3A_139 = arith.constant 384 : i32
    %dma_wait3A_140 = tpu.memref_slice %arg9[%dma_wait3A_139] : memref<1024xf32, #tpu.memory_space<vmem>> -> memref<128xf32, #tpu.memory_space<vmem>>
    %dma_wait3A_141 = arith.constant 384 : i32
    %dma_wait3A_142 = tpu.memref_slice %arg7[%dma_wait3A_141] : memref<1024xi32, #tpu.memory_space<vmem>> -> memref<128xi32, #tpu.memory_space<vmem>>
    %dma_wait3A_143 = arith.constant 0 : i32
    %dma_wait3A_144 = tpu.memref_slice %arg4[%dma_wait3A_143] : memref<1000000xf32, #tpu.memory_space<hbm>> -> memref<1000000xf32, #tpu.memory_space<hbm>>
    tpu.wait_indirect_dma semaphore(%arg10 : memref<!tpu.dma_semaphore, #tpu.memory_space<semaphore_mem>>) src(%dma_wait3A_144 : memref<1000000xf32, #tpu.memory_space<hbm>>) dst(%dma_wait3A_140 : memref<128xf32, #tpu.memory_space<vmem>>)
    %dma_wait3A_145 = arith.constant 512 : i32
    %dma_wait3A_146 = tpu.memref_slice %arg8[%dma_wait3A_145] : memref<1024xf32, #tpu.memory_space<vmem>> -> memref<128xf32, #tpu.memory_space<vmem>>
    %dma_wait3A_147 = arith.constant 512 : i32
    %dma_wait3A_148 = tpu.memref_slice %arg7[%dma_wait3A_147] : memref<1024xi32, #tpu.memory_space<vmem>> -> memref<128xi32, #tpu.memory_space<vmem>>
    %dma_wait3A_149 = arith.constant 0 : i32
    %dma_wait3A_150 = tpu.memref_slice %arg3[%dma_wait3A_149] : memref<1000000xf32, #tpu.memory_space<hbm>> -> memref<1000000xf32, #tpu.memory_space<hbm>>
    tpu.wait_indirect_dma semaphore(%arg10 : memref<!tpu.dma_semaphore, #tpu.memory_space<semaphore_mem>>) src(%dma_wait3A_150 : memref<1000000xf32, #tpu.memory_space<hbm>>) dst(%dma_wait3A_146 : memref<128xf32, #tpu.memory_space<vmem>>)
    %dma_wait3A_151 = arith.constant 512 : i32
    %dma_wait3A_152 = tpu.memref_slice %arg9[%dma_wait3A_151] : memref<1024xf32, #tpu.memory_space<vmem>> -> memref<128xf32, #tpu.memory_space<vmem>>
    %dma_wait3A_153 = arith.constant 512 : i32
    %dma_wait3A_154 = tpu.memref_slice %arg7[%dma_wait3A_153] : memref<1024xi32, #tpu.memory_space<vmem>> -> memref<128xi32, #tpu.memory_space<vmem>>
    %dma_wait3A_155 = arith.constant 0 : i32
    %dma_wait3A_156 = tpu.memref_slice %arg4[%dma_wait3A_155] : memref<1000000xf32, #tpu.memory_space<hbm>> -> memref<1000000xf32, #tpu.memory_space<hbm>>
    tpu.wait_indirect_dma semaphore(%arg10 : memref<!tpu.dma_semaphore, #tpu.memory_space<semaphore_mem>>) src(%dma_wait3A_156 : memref<1000000xf32, #tpu.memory_space<hbm>>) dst(%dma_wait3A_152 : memref<128xf32, #tpu.memory_space<vmem>>)
    %dma_wait3A_157 = arith.constant 640 : i32
    %dma_wait3A_158 = tpu.memref_slice %arg8[%dma_wait3A_157] : memref<1024xf32, #tpu.memory_space<vmem>> -> memref<128xf32, #tpu.memory_space<vmem>>
    %dma_wait3A_159 = arith.constant 640 : i32
    %dma_wait3A_160 = tpu.memref_slice %arg7[%dma_wait3A_159] : memref<1024xi32, #tpu.memory_space<vmem>> -> memref<128xi32, #tpu.memory_space<vmem>>
    %dma_wait3A_161 = arith.constant 0 : i32
    %dma_wait3A_162 = tpu.memref_slice %arg3[%dma_wait3A_161] : memref<1000000xf32, #tpu.memory_space<hbm>> -> memref<1000000xf32, #tpu.memory_space<hbm>>
    tpu.wait_indirect_dma semaphore(%arg10 : memref<!tpu.dma_semaphore, #tpu.memory_space<semaphore_mem>>) src(%dma_wait3A_162 : memref<1000000xf32, #tpu.memory_space<hbm>>) dst(%dma_wait3A_158 : memref<128xf32, #tpu.memory_space<vmem>>)
    %dma_wait3A_163 = arith.constant 640 : i32
    %dma_wait3A_164 = tpu.memref_slice %arg9[%dma_wait3A_163] : memref<1024xf32, #tpu.memory_space<vmem>> -> memref<128xf32, #tpu.memory_space<vmem>>
    %dma_wait3A_165 = arith.constant 640 : i32
    %dma_wait3A_166 = tpu.memref_slice %arg7[%dma_wait3A_165] : memref<1024xi32, #tpu.memory_space<vmem>> -> memref<128xi32, #tpu.memory_space<vmem>>
    %dma_wait3A_167 = arith.constant 0 : i32
    %dma_wait3A_168 = tpu.memref_slice %arg4[%dma_wait3A_167] : memref<1000000xf32, #tpu.memory_space<hbm>> -> memref<1000000xf32, #tpu.memory_space<hbm>>
    tpu.wait_indirect_dma semaphore(%arg10 : memref<!tpu.dma_semaphore, #tpu.memory_space<semaphore_mem>>) src(%dma_wait3A_168 : memref<1000000xf32, #tpu.memory_space<hbm>>) dst(%dma_wait3A_164 : memref<128xf32, #tpu.memory_space<vmem>>)
    %dma_wait3A_169 = arith.constant 768 : i32
    %dma_wait3A_170 = tpu.memref_slice %arg8[%dma_wait3A_169] : memref<1024xf32, #tpu.memory_space<vmem>> -> memref<128xf32, #tpu.memory_space<vmem>>
    %dma_wait3A_171 = arith.constant 768 : i32
    %dma_wait3A_172 = tpu.memref_slice %arg7[%dma_wait3A_171] : memref<1024xi32, #tpu.memory_space<vmem>> -> memref<128xi32, #tpu.memory_space<vmem>>
    %dma_wait3A_173 = arith.constant 0 : i32
    %dma_wait3A_174 = tpu.memref_slice %arg3[%dma_wait3A_173] : memref<1000000xf32, #tpu.memory_space<hbm>> -> memref<1000000xf32, #tpu.memory_space<hbm>>
    tpu.wait_indirect_dma semaphore(%arg10 : memref<!tpu.dma_semaphore, #tpu.memory_space<semaphore_mem>>) src(%dma_wait3A_174 : memref<1000000xf32, #tpu.memory_space<hbm>>) dst(%dma_wait3A_170 : memref<128xf32, #tpu.memory_space<vmem>>)
    %dma_wait3A_175 = arith.constant 768 : i32
    %dma_wait3A_176 = tpu.memref_slice %arg9[%dma_wait3A_175] : memref<1024xf32, #tpu.memory_space<vmem>> -> memref<128xf32, #tpu.memory_space<vmem>>
    %dma_wait3A_177 = arith.constant 768 : i32
    %dma_wait3A_178 = tpu.memref_slice %arg7[%dma_wait3A_177] : memref<1024xi32, #tpu.memory_space<vmem>> -> memref<128xi32, #tpu.memory_space<vmem>>
    %dma_wait3A_179 = arith.constant 0 : i32
    %dma_wait3A_180 = tpu.memref_slice %arg4[%dma_wait3A_179] : memref<1000000xf32, #tpu.memory_space<hbm>> -> memref<1000000xf32, #tpu.memory_space<hbm>>
    tpu.wait_indirect_dma semaphore(%arg10 : memref<!tpu.dma_semaphore, #tpu.memory_space<semaphore_mem>>) src(%dma_wait3A_180 : memref<1000000xf32, #tpu.memory_space<hbm>>) dst(%dma_wait3A_176 : memref<128xf32, #tpu.memory_space<vmem>>)
    %dma_wait3A_181 = arith.constant 896 : i32
    %dma_wait3A_182 = tpu.memref_slice %arg8[%dma_wait3A_181] : memref<1024xf32, #tpu.memory_space<vmem>> -> memref<128xf32, #tpu.memory_space<vmem>>
    %dma_wait3A_183 = arith.constant 896 : i32
    %dma_wait3A_184 = tpu.memref_slice %arg7[%dma_wait3A_183] : memref<1024xi32, #tpu.memory_space<vmem>> -> memref<128xi32, #tpu.memory_space<vmem>>
    %dma_wait3A_185 = arith.constant 0 : i32
    %dma_wait3A_186 = tpu.memref_slice %arg3[%dma_wait3A_185] : memref<1000000xf32, #tpu.memory_space<hbm>> -> memref<1000000xf32, #tpu.memory_space<hbm>>
    tpu.wait_indirect_dma semaphore(%arg10 : memref<!tpu.dma_semaphore, #tpu.memory_space<semaphore_mem>>) src(%dma_wait3A_186 : memref<1000000xf32, #tpu.memory_space<hbm>>) dst(%dma_wait3A_182 : memref<128xf32, #tpu.memory_space<vmem>>)
    %dma_wait3A_187 = arith.constant 896 : i32
    %dma_wait3A_188 = tpu.memref_slice %arg9[%dma_wait3A_187] : memref<1024xf32, #tpu.memory_space<vmem>> -> memref<128xf32, #tpu.memory_space<vmem>>
    %dma_wait3A_189 = arith.constant 896 : i32
    %dma_wait3A_190 = tpu.memref_slice %arg7[%dma_wait3A_189] : memref<1024xi32, #tpu.memory_space<vmem>> -> memref<128xi32, #tpu.memory_space<vmem>>
    %dma_wait3A_191 = arith.constant 0 : i32
    %dma_wait3A_192 = tpu.memref_slice %arg4[%dma_wait3A_191] : memref<1000000xf32, #tpu.memory_space<hbm>> -> memref<1000000xf32, #tpu.memory_space<hbm>>
    tpu.wait_indirect_dma semaphore(%arg10 : memref<!tpu.dma_semaphore, #tpu.memory_space<semaphore_mem>>) src(%dma_wait3A_192 : memref<1000000xf32, #tpu.memory_space<hbm>>) dst(%dma_wait3A_188 : memref<128xf32, #tpu.memory_space<vmem>>)
    "tpu.region"() ({
      %run_scoped3A = tpu.sem_alloc : memref<!tpu.dma_semaphore, #tpu.memory_space<semaphore_mem>>
      %dma_start3A_193 = tpu.memref_slice %arg5[%mul3A_2] : memref<32768xf32, #tpu.memory_space<hbm>> -> memref<1024xf32, #tpu.memory_space<hbm>>
      %dma_start3A_194 = tpu.memref_slice %arg5[%mul3A_2] : memref<32768xf32, #tpu.memory_space<hbm>> -> memref<1024xf32, #tpu.memory_space<hbm>>
      tpu.enqueue_dma source(%arg8 : memref<1024xf32, #tpu.memory_space<vmem>>) target(%dma_start3A_194 : memref<1024xf32, #tpu.memory_space<hbm>>) target_semaphore(%run_scoped3A : memref<!tpu.dma_semaphore, #tpu.memory_space<semaphore_mem>>)
      %dma_wait3A_195 = tpu.memref_slice %arg5[%mul3A_2] : memref<32768xf32, #tpu.memory_space<hbm>> -> memref<1024xf32, #tpu.memory_space<hbm>>
      %dma_wait3A_196 = tpu.memref_slice %arg5[%mul3A_2] : memref<32768xf32, #tpu.memory_space<hbm>> -> memref<1024xf32, #tpu.memory_space<hbm>>
      tpu.wait_dma2 semaphore(%run_scoped3A : memref<!tpu.dma_semaphore, #tpu.memory_space<semaphore_mem>>) src(%arg8 : memref<1024xf32, #tpu.memory_space<vmem>>) dst(%dma_wait3A_196 : memref<1024xf32, #tpu.memory_space<hbm>>)
      tpu.yield
    }) : () -> ()
    "tpu.region"() ({
      %run_scoped3A = tpu.sem_alloc : memref<!tpu.dma_semaphore, #tpu.memory_space<semaphore_mem>>
      %dma_start3A_193 = tpu.memref_slice %arg6[%mul3A_2] : memref<32768xf32, #tpu.memory_space<hbm>> -> memref<1024xf32, #tpu.memory_space<hbm>>
      %dma_start3A_194 = tpu.memref_slice %arg6[%mul3A_2] : memref<32768xf32, #tpu.memory_space<hbm>> -> memref<1024xf32, #tpu.memory_space<hbm>>
      tpu.enqueue_dma source(%arg9 : memref<1024xf32, #tpu.memory_space<vmem>>) target(%dma_start3A_194 : memref<1024xf32, #tpu.memory_space<hbm>>) target_semaphore(%run_scoped3A : memref<!tpu.dma_semaphore, #tpu.memory_space<semaphore_mem>>)
      %dma_wait3A_195 = tpu.memref_slice %arg6[%mul3A_2] : memref<32768xf32, #tpu.memory_space<hbm>> -> memref<1024xf32, #tpu.memory_space<hbm>>
      %dma_wait3A_196 = tpu.memref_slice %arg6[%mul3A_2] : memref<32768xf32, #tpu.memory_space<hbm>> -> memref<1024xf32, #tpu.memory_space<hbm>>
      tpu.wait_dma2 semaphore(%run_scoped3A : memref<!tpu.dma_semaphore, #tpu.memory_space<semaphore_mem>>) src(%arg9 : memref<1024xf32, #tpu.memory_space<vmem>>) dst(%dma_wait3A_196 : memref<1024xf32, #tpu.memory_space<hbm>>)
      tpu.yield
    }) : () -> ()
    return
  }
}

#map = affine_map<(d0, d1) -> (0)>
#map1 = affine_map<(d0, d1) -> (0, 0)>
module attributes {stable_mosaic.version = 14 : i64} {
  func.func @_sc_gather_entity(%arg0: i32, %arg1: i32, %arg2: memref<32768xi32, #tpu.memory_space<hbm>>, %arg3: memref<1000000x40xf32, #tpu.memory_space<hbm>>, %arg4: memref<16384x40xf32, #tpu.memory_space<hbm>>, %arg5: memref<16384x40xf32, #tpu.memory_space<hbm>>, %arg6: memref<1024xi32, #tpu.memory_space<vmem>>, %arg7: memref<!tpu.dma_semaphore, #tpu.memory_space<semaphore_mem>>, %arg8: memref<!tpu.dma_semaphore, #tpu.memory_space<semaphore_mem>>) attributes {dimension_semantics = [#tpu.dimension_semantics<core_parallel>, #tpu.dimension_semantics<subcore_parallel>], iteration_bounds = array<i64: 2, 16>, scalar_prefetch = 0 : i64, scratch_operands = 3 : i64, tpu.core_type = #tpu.core_type<sc_vector_subcore>, window_params = [{transform_indices = #map}, {transform_indices = #map1}, {transform_indices = #map1}, {transform_indices = #map1}]} {
    %mul3A = arith.constant 2 : i32
    %mul3A_0 = arith.muli %arg1, %mul3A : i32
    %add3A = arith.addi %mul3A_0, %arg0 : i32
    %mul3A_1 = arith.constant 512 : i32
    %mul3A_2 = arith.muli %add3A, %mul3A_1 : i32
    %mul3A_3 = arith.constant 2 : i32
    %mul3A_4 = arith.muli %mul3A_3, %mul3A_2 : i32
    "tpu.region"() ({
      %run_scoped3A = tpu.sem_alloc : memref<!tpu.dma_semaphore, #tpu.memory_space<semaphore_mem>>
      %dma_start3A = tpu.memref_slice %arg2[%mul3A_4] : memref<32768xi32, #tpu.memory_space<hbm>> -> memref<1024xi32, #tpu.memory_space<hbm>>
      %dma_start3A_19 = tpu.memref_slice %arg2[%mul3A_4] : memref<32768xi32, #tpu.memory_space<hbm>> -> memref<1024xi32, #tpu.memory_space<hbm>>
      tpu.enqueue_dma source(%dma_start3A_19 : memref<1024xi32, #tpu.memory_space<hbm>>) target(%arg6 : memref<1024xi32, #tpu.memory_space<vmem>>) target_semaphore(%run_scoped3A : memref<!tpu.dma_semaphore, #tpu.memory_space<semaphore_mem>>)
      %dma_wait3A_20 = tpu.memref_slice %arg2[%mul3A_4] : memref<32768xi32, #tpu.memory_space<hbm>> -> memref<1024xi32, #tpu.memory_space<hbm>>
      %dma_wait3A_21 = tpu.memref_slice %arg2[%mul3A_4] : memref<32768xi32, #tpu.memory_space<hbm>> -> memref<1024xi32, #tpu.memory_space<hbm>>
      tpu.wait_dma2 semaphore(%run_scoped3A : memref<!tpu.dma_semaphore, #tpu.memory_space<semaphore_mem>>) src(%dma_wait3A_21 : memref<1024xi32, #tpu.memory_space<hbm>>) dst(%arg6 : memref<1024xi32, #tpu.memory_space<vmem>>)
      tpu.yield
    }) : () -> ()
    %iota3A = tpu.iota {dimensions = array<i32: 0>} : vector<16xi32>
    %scan3A = arith.constant 0 : i32
    %scan3A_5 = arith.constant 0 : i32
    %scan3A_6 = arith.constant 512 : i32
    %scan3A_7 = arith.addi %scan3A_5, %scan3A_6 : i32
    %scan3A_8 = arith.constant 1 : i32
    scf.for %scan3A_19 = %scan3A_5 to %scan3A_7 step %scan3A_8  : i32 {
      %mul3A_20 = arith.constant 2 : i32
      %mul3A_21 = arith.muli %mul3A_20, %scan3A_19 : i32
      %jit3A = arith.constant 16 : i32
      %div3A = arith.divsi %mul3A_21, %jit3A : i32
      %sign3A = arith.constant 0 : i32
      %sign3A_22 = arith.cmpi sgt, %mul3A_21, %sign3A : i32
      %sign3A_23 = arith.extui %sign3A_22 : i1 to i32
      %sign3A_24 = arith.constant 0 : i32
      %sign3A_25 = arith.cmpi slt, %mul3A_21, %sign3A_24 : i32
      %sign3A_26 = arith.extui %sign3A_25 : i1 to i32
      %sign3A_27 = arith.subi %sign3A_23, %sign3A_26 : i32
      %sign3A_28 = arith.constant 0 : i32
      %sign3A_29 = arith.cmpi sgt, %jit3A, %sign3A_28 : i32
      %sign3A_30 = arith.extui %sign3A_29 : i1 to i32
      %sign3A_31 = arith.constant 0 : i32
      %sign3A_32 = arith.cmpi slt, %jit3A, %sign3A_31 : i32
      %sign3A_33 = arith.extui %sign3A_32 : i1 to i32
      %sign3A_34 = arith.subi %sign3A_30, %sign3A_33 : i32
      %ne3A = arith.cmpi ne, %sign3A_27, %sign3A_34 : i32
      %rem3A = arith.remsi %mul3A_21, %jit3A : i32
      %ne3A_35 = arith.constant 0 : i32
      %ne3A_36 = arith.cmpi ne, %rem3A, %ne3A_35 : i32
      %and3A = arith.andi %ne3A, %ne3A_36 : i1
      %sub3A = arith.constant 1 : i32
      %sub3A_37 = arith.subi %div3A, %sub3A : i32
      %select_n3A = arith.select %and3A, %sub3A_37, %div3A : i32
      %mul3A_38 = arith.constant 16 : i32
      %mul3A_39 = arith.muli %select_n3A, %mul3A_38 : i32
      %get3A = arith.index_cast %mul3A_39 : i32 to index
      %get3A_40 = tpu.vector_load %arg6[%get3A] {strides = array<i32>} : memref<1024xi32, #tpu.memory_space<vmem>>, vector<16xi32>,
      %jit3A_41 = arith.constant 16 : i32
      %eq3A = arith.constant 0 : i32
      %eq3A_42 = arith.cmpi eq, %jit3A_41, %eq3A : i32
      %jit3A_43 = arith.constant 1 : i32
      %select_n3A_44 = arith.select %eq3A_42, %jit3A_43, %jit3A_41 : i32
      %rem3A_45 = arith.remsi %mul3A_21, %select_n3A_44 : i32
      %ne3A_46 = arith.constant 0 : i32
      %ne3A_47 = arith.cmpi ne, %rem3A_45, %ne3A_46 : i32
      %lt3A = arith.constant 0 : i32
      %lt3A_48 = arith.cmpi slt, %rem3A_45, %lt3A : i32
      %lt3A_49 = arith.constant 0 : i32
      %lt3A_50 = arith.cmpi slt, %select_n3A_44, %lt3A_49 : i32
      %ne3A_51 = arith.xori %lt3A_48, %lt3A_50 : i1
      %and3A_52 = arith.andi %ne3A_51, %ne3A_47 : i1
      %add3A_53 = arith.addi %rem3A_45, %select_n3A_44 : i32
      %select_n3A_54 = arith.select %and3A_52, %add3A_53, %rem3A_45 : i32
      %eq3A_55 = vector.broadcast %select_n3A_54 : i32 to vector<16xi32>
      %eq3A_56 = arith.cmpi eq, %iota3A, %eq3A_55 : vector<16xi32>
      %jit3A_57 = arith.constant 0 : i32
      %broadcast_in_dim3A = vector.broadcast %jit3A_57 : i32 to vector<16xi32>
      %select_n3A_58 = arith.select %eq3A_56, %get3A_40, %broadcast_in_dim3A : vector<16xi1>, vector<16xi32>
      %reduce_max3A = arith.constant true
      %reduce_max3A_59 = vector.broadcast %reduce_max3A : i1 to vector<16xi1>
      %reduce_max3A_60 = arith.constant -2147483648 : i32
      %reduce_max3A_61 = vector.broadcast %reduce_max3A_60 : i32 to vector<16xi32>
      %reduce_max3A_62 = arith.xori %select_n3A_58, %reduce_max3A_61 : vector<16xi32>
      %reduce_max3A_63 = tpu.scan <max>, %reduce_max3A_62 masked %reduce_max3A_59 : vector<16xi32>, vector<16xi1> -> vector<16xi32>
      %reduce_max3A_64 = arith.xori %reduce_max3A_63, %reduce_max3A_61 : vector<16xi32>
      %reduce_max3A_65 = vector.extract %reduce_max3A_64[15] : i32 from vector<16xi32>
      %jit3A_66 = arith.constant 16 : i32
      %eq3A_67 = arith.constant 0 : i32
      %eq3A_68 = arith.cmpi eq, %jit3A_66, %eq3A_67 : i32
      %jit3A_69 = arith.constant 1 : i32
      %select_n3A_70 = arith.select %eq3A_68, %jit3A_69, %jit3A_66 : i32
      %rem3A_71 = arith.remsi %mul3A_21, %select_n3A_70 : i32
      %ne3A_72 = arith.constant 0 : i32
      %ne3A_73 = arith.cmpi ne, %rem3A_71, %ne3A_72 : i32
      %lt3A_74 = arith.constant 0 : i32
      %lt3A_75 = arith.cmpi slt, %rem3A_71, %lt3A_74 : i32
      %lt3A_76 = arith.constant 0 : i32
      %lt3A_77 = arith.cmpi slt, %select_n3A_70, %lt3A_76 : i32
      %ne3A_78 = arith.xori %lt3A_75, %lt3A_77 : i1
      %and3A_79 = arith.andi %ne3A_78, %ne3A_73 : i1
      %add3A_80 = arith.addi %rem3A_71, %select_n3A_70 : i32
      %select_n3A_81 = arith.select %and3A_79, %add3A_80, %rem3A_71 : i32
      %add3A_82 = arith.constant 1 : i32
      %add3A_83 = arith.addi %select_n3A_81, %add3A_82 : i32
      %eq3A_84 = vector.broadcast %add3A_83 : i32 to vector<16xi32>
      %eq3A_85 = arith.cmpi eq, %iota3A, %eq3A_84 : vector<16xi32>
      %jit3A_86 = arith.constant 0 : i32
      %broadcast_in_dim3A_87 = vector.broadcast %jit3A_86 : i32 to vector<16xi32>
      %select_n3A_88 = arith.select %eq3A_85, %get3A_40, %broadcast_in_dim3A_87 : vector<16xi1>, vector<16xi32>
      %reduce_max3A_89 = arith.constant true
      %reduce_max3A_90 = vector.broadcast %reduce_max3A_89 : i1 to vector<16xi1>
      %reduce_max3A_91 = arith.constant -2147483648 : i32
      %reduce_max3A_92 = vector.broadcast %reduce_max3A_91 : i32 to vector<16xi32>
      %reduce_max3A_93 = arith.xori %select_n3A_88, %reduce_max3A_92 : vector<16xi32>
      %reduce_max3A_94 = tpu.scan <max>, %reduce_max3A_93 masked %reduce_max3A_90 : vector<16xi32>, vector<16xi1> -> vector<16xi32>
      %reduce_max3A_95 = arith.xori %reduce_max3A_94, %reduce_max3A_92 : vector<16xi32>
      %reduce_max3A_96 = vector.extract %reduce_max3A_95[15] : i32 from vector<16xi32>
      %add3A_97 = arith.addi %mul3A_2, %scan3A_19 : i32
      %dma_start3A = arith.constant 0 : i32
      %dma_start3A_98 = tpu.memref_slice %arg4[%add3A_97, %dma_start3A] : memref<16384x40xf32, #tpu.memory_space<hbm>> -> memref<1x40xf32, #tpu.memory_space<hbm>>
      %dma_start3A_99 = arith.constant 0 : i32
      %dma_start3A_100 = tpu.memref_slice %arg3[%reduce_max3A_65, %dma_start3A_99] : memref<1000000x40xf32, #tpu.memory_space<hbm>> -> memref<1x40xf32, #tpu.memory_space<hbm>>
      tpu.enqueue_dma source(%dma_start3A_100 : memref<1x40xf32, #tpu.memory_space<hbm>>) target(%dma_start3A_98 : memref<1x40xf32, #tpu.memory_space<hbm>>) target_semaphore(%arg7 : memref<!tpu.dma_semaphore, #tpu.memory_space<semaphore_mem>>)
      %dma_start3A_101 = arith.constant 0 : i32
      %dma_start3A_102 = tpu.memref_slice %arg5[%add3A_97, %dma_start3A_101] : memref<16384x40xf32, #tpu.memory_space<hbm>> -> memref<1x40xf32, #tpu.memory_space<hbm>>
      %dma_start3A_103 = arith.constant 0 : i32
      %dma_start3A_104 = tpu.memref_slice %arg3[%reduce_max3A_96, %dma_start3A_103] : memref<1000000x40xf32, #tpu.memory_space<hbm>> -> memref<1x40xf32, #tpu.memory_space<hbm>>
      tpu.enqueue_dma source(%dma_start3A_104 : memref<1x40xf32, #tpu.memory_space<hbm>>) target(%dma_start3A_102 : memref<1x40xf32, #tpu.memory_space<hbm>>) target_semaphore(%arg8 : memref<!tpu.dma_semaphore, #tpu.memory_space<semaphore_mem>>)
    }
    %scan3A_9 = arith.constant 512 : i32
    %dma_wait3A = arith.constant 0 : i32
    %dma_wait3A_10 = tpu.memref_slice %arg4[%mul3A_2, %dma_wait3A] : memref<16384x40xf32, #tpu.memory_space<hbm>> -> memref<512x40xf32, #tpu.memory_space<hbm>>
    %dma_wait3A_11 = arith.constant 0 : i32
    %dma_wait3A_12 = arith.constant 0 : i32
    %dma_wait3A_13 = tpu.memref_slice %arg3[%dma_wait3A_11, %dma_wait3A_12] : memref<1000000x40xf32, #tpu.memory_space<hbm>> -> memref<512x40xf32, #tpu.memory_space<hbm>>
    tpu.wait_dma2 semaphore(%arg7 : memref<!tpu.dma_semaphore, #tpu.memory_space<semaphore_mem>>) src(%dma_wait3A_13 : memref<512x40xf32, #tpu.memory_space<hbm>>) dst(%dma_wait3A_10 : memref<512x40xf32, #tpu.memory_space<hbm>>)
    %dma_wait3A_14 = arith.constant 0 : i32
    %dma_wait3A_15 = tpu.memref_slice %arg5[%mul3A_2, %dma_wait3A_14] : memref<16384x40xf32, #tpu.memory_space<hbm>> -> memref<512x40xf32, #tpu.memory_space<hbm>>
    %dma_wait3A_16 = arith.constant 0 : i32
    %dma_wait3A_17 = arith.constant 0 : i32
    %dma_wait3A_18 = tpu.memref_slice %arg3[%dma_wait3A_16, %dma_wait3A_17] : memref<1000000x40xf32, #tpu.memory_space<hbm>> -> memref<512x40xf32, #tpu.memory_space<hbm>>
    tpu.wait_dma2 semaphore(%arg8 : memref<!tpu.dma_semaphore, #tpu.memory_space<semaphore_mem>>) src(%dma_wait3A_18 : memref<512x40xf32, #tpu.memory_space<hbm>>) dst(%dma_wait3A_15 : memref<512x40xf32, #tpu.memory_space<hbm>>)
    return
  }
}

module attributes {stable_mosaic.version = 14 : i64} {
  func.func @_tc_body(%arg0: i32, %arg1: memref<2048x40xf32, #tpu.memory_space<vmem>>, %arg2: memref<2048x40xf32, #tpu.memory_space<vmem>>, %arg3: memref<2048x2xf32, #tpu.memory_space<vmem>>, %arg4: memref<2048x2xf32, #tpu.memory_space<vmem>>, %arg5: memref<2048x2xf32, #tpu.memory_space<vmem>>, %arg6: memref<2048x40xf32, #tpu.memory_space<vmem>>, %arg7: memref<1xf32, #tpu.memory_space<smem>>, %arg8: memref<1xf32, #tpu.memory_space<smem>>, %arg9: memref<2048x1xf32, #tpu.memory_space<vmem>>, %arg10: memref<2048x2xf32, #tpu.memory_space<vmem>>, %arg11: memref<2048x2xf32, #tpu.memory_space<vmem>>, %arg12: memref<1x1xf32, #tpu.memory_space<vmem>>) attributes {dimension_semantics = [#tpu.dimension_semantics<arbitrary>], iteration_bounds = array<i64: 8>, scalar_prefetch = 0 : i64, scratch_operands = 0 : i64, tpu.core_type = #tpu.core_type<tc>, window_params = [{transform_indices = @transform_0, window_bounds = array<i64: 2048, 40>}, {transform_indices = @transform_1, window_bounds = array<i64: 2048, 40>}, {transform_indices = @transform_2, window_bounds = array<i64: 2048, 2>}, {transform_indices = @transform_3, window_bounds = array<i64: 2048, 2>}, {transform_indices = @transform_4, window_bounds = array<i64: 2048, 2>}, {transform_indices = @transform_5, window_bounds = array<i64: 2048, 40>}, {transform_indices = @transform_6, window_bounds = array<i64: 1>}, {transform_indices = @transform_7, window_bounds = array<i64: 1>}, {transform_indices = @transform_8, window_bounds = array<i64: 2048, 1>}, {transform_indices = @transform_9, window_bounds = array<i64: 2048, 2>}, {transform_indices = @transform_10, window_bounds = array<i64: 2048, 2>}, {pipeline_mode = #tpu.pipeline_mode<synchronous>, transform_indices = @transform_11, window_bounds = array<i64: 1, 1>}]} {
    %get3A = arith.constant 0 : index
    %get3A_0 = arith.constant 0 : index
    %get3A_1 = vector.load %arg1[%get3A, %get3A_0] : memref<2048x40xf32, #tpu.memory_space<vmem>>, vector<2048x40xf32>
    %get3A_2 = arith.constant 0 : index
    %get3A_3 = arith.constant 0 : index
    %get3A_4 = vector.load %arg2[%get3A_2, %get3A_3] : memref<2048x40xf32, #tpu.memory_space<vmem>>, vector<2048x40xf32>
    %slice3A = vector.extract_strided_slice %get3A_1 {offsets = [0, 0], sizes = [2048, 20], strides = [1, 1]} : vector<2048x40xf32> to vector<2048x20xf32>
    %slice3A_5 = vector.extract_strided_slice %get3A_1 {offsets = [0, 20], sizes = [2048, 20], strides = [1, 1]} : vector<2048x40xf32> to vector<2048x20xf32>
    %slice3A_6 = vector.extract_strided_slice %get3A_4 {offsets = [0, 0], sizes = [2048, 20], strides = [1, 1]} : vector<2048x40xf32> to vector<2048x20xf32>
    %slice3A_7 = vector.extract_strided_slice %get3A_4 {offsets = [0, 20], sizes = [2048, 20], strides = [1, 1]} : vector<2048x40xf32> to vector<2048x20xf32>
    %custom_jvp_call3A = arith.constant 0.000000e+00 : f32
    %max3A = vector.broadcast %custom_jvp_call3A : f32 to vector<2048x20xf32>
    %max3A_8 = arith.maximumf %slice3A_5, %max3A : vector<2048x20xf32>
    %sub3A = vector.broadcast %custom_jvp_call3A : f32 to vector<2048x20xf32>
    %sub3A_9 = arith.subf %slice3A_5, %sub3A : vector<2048x20xf32>
    %ne3A = arith.cmpf one, %sub3A_9, %sub3A_9 : vector<2048x20xf32>
    %add3A = vector.broadcast %custom_jvp_call3A : f32 to vector<2048x20xf32>
    %add3A_10 = arith.addf %slice3A_5, %add3A : vector<2048x20xf32>
    %abs3A = math.absf %sub3A_9 : vector<2048x20xf32>
    %neg3A = arith.constant 0.000000e+00 : f32
    %neg3A_11 = vector.broadcast %neg3A : f32 to vector<2048x20xf32>
    %neg3A_12 = arith.subf %neg3A_11, %abs3A : vector<2048x20xf32>
    %exp3A = math.exp %neg3A_12 : vector<2048x20xf32>
    %log1p3A = math.log1p %exp3A : vector<2048x20xf32>
    %add3A_13 = arith.addf %max3A_8, %log1p3A : vector<2048x20xf32>
    %select_n3A = arith.select %ne3A, %add3A_10, %add3A_13 : vector<2048x20xi1>, vector<2048x20xf32>
    %custom_jvp_call3A_14 = arith.constant 0.000000e+00 : f32
    %max3A_15 = vector.broadcast %custom_jvp_call3A_14 : f32 to vector<2048x20xf32>
    %max3A_16 = arith.maximumf %slice3A_7, %max3A_15 : vector<2048x20xf32>
    %sub3A_17 = vector.broadcast %custom_jvp_call3A_14 : f32 to vector<2048x20xf32>
    %sub3A_18 = arith.subf %slice3A_7, %sub3A_17 : vector<2048x20xf32>
    %ne3A_19 = arith.cmpf one, %sub3A_18, %sub3A_18 : vector<2048x20xf32>
    %add3A_20 = vector.broadcast %custom_jvp_call3A_14 : f32 to vector<2048x20xf32>
    %add3A_21 = arith.addf %slice3A_7, %add3A_20 : vector<2048x20xf32>
    %abs3A_22 = math.absf %sub3A_18 : vector<2048x20xf32>
    %neg3A_23 = arith.constant 0.000000e+00 : f32
    %neg3A_24 = vector.broadcast %neg3A_23 : f32 to vector<2048x20xf32>
    %neg3A_25 = arith.subf %neg3A_24, %abs3A_22 : vector<2048x20xf32>
    %exp3A_26 = math.exp %neg3A_25 : vector<2048x20xf32>
    %log1p3A_27 = math.log1p %exp3A_26 : vector<2048x20xf32>
    %add3A_28 = arith.addf %max3A_16, %log1p3A_27 : vector<2048x20xf32>
    %select_n3A_29 = arith.select %ne3A_19, %add3A_21, %add3A_28 : vector<2048x20xi1>, vector<2048x20xf32>
    %get3A_30 = arith.constant 0 : index
    %get3A_31 = arith.constant 0 : index
    %get3A_32 = vector.load %arg6[%get3A_30, %get3A_31] : memref<2048x40xf32, #tpu.memory_space<vmem>>, vector<2048x40xf32>
    %slice3A_33 = vector.extract_strided_slice %get3A_32 {offsets = [0, 0], sizes = [2048, 20], strides = [1, 1]} : vector<2048x40xf32> to vector<2048x20xf32>
    %mul3A = arith.mulf %select_n3A, %slice3A_33 : vector<2048x20xf32>
    %add3A_34 = arith.addf %slice3A, %mul3A : vector<2048x20xf32>
    %slice3A_35 = vector.extract_strided_slice %get3A_32 {offsets = [0, 20], sizes = [2048, 20], strides = [1, 1]} : vector<2048x40xf32> to vector<2048x20xf32>
    %mul3A_36 = arith.mulf %select_n3A_29, %slice3A_35 : vector<2048x20xf32>
    %add3A_37 = arith.addf %slice3A_6, %mul3A_36 : vector<2048x20xf32>
    %mul3A_38 = arith.mulf %add3A_34, %add3A_37 : vector<2048x20xf32>
    %reduce_sum3A = arith.constant dense<0.000000e+00> : vector<2048xf32>
    %reduce_sum3A_39 = vector.multi_reduction <add>, %mul3A_38, %reduce_sum3A [1] : vector<2048x20xf32> to vector<2048xf32>
    %get3A_40 = arith.constant 0 : index
    %get3A_41 = arith.constant 0 : index
    %get3A_42 = vector.load %arg3[%get3A_40, %get3A_41] : memref<2048x2xf32, #tpu.memory_space<vmem>>, vector<2048x2xf32>
    %get3A_43 = arith.constant 0 : index
    %get3A_44 = arith.constant 0 : index
    %get3A_45 = vector.load %arg4[%get3A_43, %get3A_44] : memref<2048x2xf32, #tpu.memory_space<vmem>>, vector<2048x2xf32>
    %slice3A_46 = vector.extract_strided_slice %get3A_42 {offsets = [0, 0], sizes = [2048, 1], strides = [1, 1]} : vector<2048x2xf32> to vector<2048x1xf32>
    %squeeze3A = vector.shape_cast %slice3A_46 : vector<2048x1xf32> to vector<2048xf32>
    %slice3A_47 = vector.extract_strided_slice %get3A_42 {offsets = [0, 1], sizes = [2048, 1], strides = [1, 1]} : vector<2048x2xf32> to vector<2048x1xf32>
    %squeeze3A_48 = vector.shape_cast %slice3A_47 : vector<2048x1xf32> to vector<2048xf32>
    %slice3A_49 = vector.extract_strided_slice %get3A_45 {offsets = [0, 0], sizes = [2048, 1], strides = [1, 1]} : vector<2048x2xf32> to vector<2048x1xf32>
    %squeeze3A_50 = vector.shape_cast %slice3A_49 : vector<2048x1xf32> to vector<2048xf32>
    %slice3A_51 = vector.extract_strided_slice %get3A_45 {offsets = [0, 1], sizes = [2048, 1], strides = [1, 1]} : vector<2048x2xf32> to vector<2048x1xf32>
    %squeeze3A_52 = vector.shape_cast %slice3A_51 : vector<2048x1xf32> to vector<2048xf32>
    %custom_jvp_call3A_53 = arith.constant 0.000000e+00 : f32
    %max3A_54 = vector.broadcast %custom_jvp_call3A_53 : f32 to vector<2048xf32>
    %max3A_55 = arith.maximumf %squeeze3A_50, %max3A_54 : vector<2048xf32>
    %sub3A_56 = vector.broadcast %custom_jvp_call3A_53 : f32 to vector<2048xf32>
    %sub3A_57 = arith.subf %squeeze3A_50, %sub3A_56 : vector<2048xf32>
    %ne3A_58 = arith.cmpf one, %sub3A_57, %sub3A_57 : vector<2048xf32>
    %add3A_59 = vector.broadcast %custom_jvp_call3A_53 : f32 to vector<2048xf32>
    %add3A_60 = arith.addf %squeeze3A_50, %add3A_59 : vector<2048xf32>
    %abs3A_61 = math.absf %sub3A_57 : vector<2048xf32>
    %neg3A_62 = arith.constant 0.000000e+00 : f32
    %neg3A_63 = vector.broadcast %neg3A_62 : f32 to vector<2048xf32>
    %neg3A_64 = arith.subf %neg3A_63, %abs3A_61 : vector<2048xf32>
    %exp3A_65 = math.exp %neg3A_64 : vector<2048xf32>
    %log1p3A_66 = math.log1p %exp3A_65 : vector<2048xf32>
    %add3A_67 = arith.addf %max3A_55, %log1p3A_66 : vector<2048xf32>
    %select_n3A_68 = arith.select %ne3A_58, %add3A_60, %add3A_67 : vector<2048xi1>, vector<2048xf32>
    %custom_jvp_call3A_69 = arith.constant 0.000000e+00 : f32
    %max3A_70 = vector.broadcast %custom_jvp_call3A_69 : f32 to vector<2048xf32>
    %max3A_71 = arith.maximumf %squeeze3A_52, %max3A_70 : vector<2048xf32>
    %sub3A_72 = vector.broadcast %custom_jvp_call3A_69 : f32 to vector<2048xf32>
    %sub3A_73 = arith.subf %squeeze3A_52, %sub3A_72 : vector<2048xf32>
    %ne3A_74 = arith.cmpf one, %sub3A_73, %sub3A_73 : vector<2048xf32>
    %add3A_75 = vector.broadcast %custom_jvp_call3A_69 : f32 to vector<2048xf32>
    %add3A_76 = arith.addf %squeeze3A_52, %add3A_75 : vector<2048xf32>
    %abs3A_77 = math.absf %sub3A_73 : vector<2048xf32>
    %neg3A_78 = arith.constant 0.000000e+00 : f32
    %neg3A_79 = vector.broadcast %neg3A_78 : f32 to vector<2048xf32>
    %neg3A_80 = arith.subf %neg3A_79, %abs3A_77 : vector<2048xf32>
    %exp3A_81 = math.exp %neg3A_80 : vector<2048xf32>
    %log1p3A_82 = math.log1p %exp3A_81 : vector<2048xf32>
    %add3A_83 = arith.addf %max3A_71, %log1p3A_82 : vector<2048xf32>
    %select_n3A_84 = arith.select %ne3A_74, %add3A_76, %add3A_83 : vector<2048xi1>, vector<2048xf32>
    %get3A_85 = arith.constant 0 : index
    %get3A_86 = arith.constant 0 : index
    %get3A_87 = vector.load %arg5[%get3A_85, %get3A_86] : memref<2048x2xf32, #tpu.memory_space<vmem>>, vector<2048x2xf32>
    %get3A_88 = arith.constant 0 : index
    %get3A_89 = memref.load %arg8[%get3A_88] : memref<1xf32, #tpu.memory_space<smem>>
    %slice3A_90 = vector.extract_strided_slice %get3A_87 {offsets = [0, 0], sizes = [2048, 1], strides = [1, 1]} : vector<2048x2xf32> to vector<2048x1xf32>
    %squeeze3A_91 = vector.shape_cast %slice3A_90 : vector<2048x1xf32> to vector<2048xf32>
    %mul3A_92 = arith.mulf %select_n3A_68, %squeeze3A_91 : vector<2048xf32>
    %add3A_93 = arith.addf %squeeze3A, %mul3A_92 : vector<2048xf32>
    %add3A_94 = vector.broadcast %get3A_89 : f32 to vector<2048xf32>
    %add3A_95 = arith.addf %add3A_94, %add3A_93 : vector<2048xf32>
    %slice3A_96 = vector.extract_strided_slice %get3A_87 {offsets = [0, 1], sizes = [2048, 1], strides = [1, 1]} : vector<2048x2xf32> to vector<2048x1xf32>
    %squeeze3A_97 = vector.shape_cast %slice3A_96 : vector<2048x1xf32> to vector<2048xf32>
    %mul3A_98 = arith.mulf %select_n3A_84, %squeeze3A_97 : vector<2048xf32>
    %add3A_99 = arith.addf %squeeze3A_48, %mul3A_98 : vector<2048xf32>
    %add3A_100 = arith.addf %add3A_95, %add3A_99 : vector<2048xf32>
    %add3A_101 = arith.addf %add3A_100, %reduce_sum3A_39 : vector<2048xf32>
    %broadcast_in_dim3A = vector.shape_cast %add3A_101 : vector<2048xf32> to vector<2048x1xf32>
    %swap3A = arith.constant 0 : index
    %swap3A_102 = arith.constant 0 : index
    %swap3A_103 = vector.load %arg9[%swap3A, %swap3A_102] : memref<2048x1xf32, #tpu.memory_space<vmem>>, vector<2048x1xf32>
    tpu.vector_store %arg9[%swap3A, %swap3A_102], %broadcast_in_dim3A {strides = array<i32>} : memref<2048x1xf32, #tpu.memory_space<vmem>>, vector<2048x1xf32>,
    %log3A = math.log %select_n3A_68 : vector<2048xf32>
    %neg3A_104 = arith.constant 0.000000e+00 : f32
    %neg3A_105 = vector.broadcast %neg3A_104 : f32 to vector<2048xf32>
    %neg3A_106 = arith.subf %neg3A_105, %log3A : vector<2048xf32>
    %mul3A_107 = arith.mulf %select_n3A_68, %select_n3A_68 : vector<2048xf32>
    %mul3A_108 = arith.mulf %squeeze3A, %squeeze3A : vector<2048xf32>
    %add3A_109 = arith.addf %mul3A_107, %mul3A_108 : vector<2048xf32>
    %mul3A_110 = arith.constant 5.000000e-01 : f32
    %mul3A_111 = vector.broadcast %mul3A_110 : f32 to vector<2048xf32>
    %mul3A_112 = arith.mulf %add3A_109, %mul3A_111 : vector<2048xf32>
    %add3A_113 = arith.addf %neg3A_106, %mul3A_112 : vector<2048xf32>
    %sub3A_114 = arith.constant 5.000000e-01 : f32
    %sub3A_115 = vector.broadcast %sub3A_114 : f32 to vector<2048xf32>
    %sub3A_116 = arith.subf %add3A_113, %sub3A_115 : vector<2048xf32>
    %log3A_117 = math.log %select_n3A_84 : vector<2048xf32>
    %neg3A_118 = arith.constant 0.000000e+00 : f32
    %neg3A_119 = vector.broadcast %neg3A_118 : f32 to vector<2048xf32>
    %neg3A_120 = arith.subf %neg3A_119, %log3A_117 : vector<2048xf32>
    %mul3A_121 = arith.mulf %select_n3A_84, %select_n3A_84 : vector<2048xf32>
    %mul3A_122 = arith.mulf %squeeze3A_48, %squeeze3A_48 : vector<2048xf32>
    %add3A_123 = arith.addf %mul3A_121, %mul3A_122 : vector<2048xf32>
    %mul3A_124 = arith.constant 5.000000e-01 : f32
    %mul3A_125 = vector.broadcast %mul3A_124 : f32 to vector<2048xf32>
    %mul3A_126 = arith.mulf %add3A_123, %mul3A_125 : vector<2048xf32>
    %add3A_127 = arith.addf %neg3A_120, %mul3A_126 : vector<2048xf32>
    %sub3A_128 = arith.constant 5.000000e-01 : f32
    %sub3A_129 = vector.broadcast %sub3A_128 : f32 to vector<2048xf32>
    %sub3A_130 = arith.subf %add3A_127, %sub3A_129 : vector<2048xf32>
    %stack3A = vector.shape_cast %sub3A_116 : vector<2048xf32> to vector<2048x1xf32>
    %stack3A_131 = vector.shape_cast %sub3A_130 : vector<2048xf32> to vector<2048x1xf32>
    %stack3A_132 = tpu.concatenate %stack3A, %stack3A_131 in 1 : vector<2048x1xf32>, vector<2048x1xf32> -> vector<2048x2xf32>
    %swap3A_133 = arith.constant 0 : index
    %swap3A_134 = arith.constant 0 : index
    %swap3A_135 = vector.load %arg10[%swap3A_133, %swap3A_134] : memref<2048x2xf32, #tpu.memory_space<vmem>>, vector<2048x2xf32>
    tpu.vector_store %arg10[%swap3A_133, %swap3A_134], %stack3A_132 {strides = array<i32>} : memref<2048x2xf32, #tpu.memory_space<vmem>>, vector<2048x2xf32>,
    %mul3A_136 = arith.mulf %select_n3A, %select_n3A : vector<2048x20xf32>
    %mul3A_137 = arith.mulf %slice3A, %slice3A : vector<2048x20xf32>
    %add3A_138 = arith.addf %mul3A_136, %mul3A_137 : vector<2048x20xf32>
    %reduce_sum3A_139 = arith.constant dense<0.000000e+00> : vector<2048xf32>
    %reduce_sum3A_140 = vector.multi_reduction <add>, %add3A_138, %reduce_sum3A_139 [1] : vector<2048x20xf32> to vector<2048xf32>
    %sub3A_141 = arith.constant 2.000000e+01 : f32
    %sub3A_142 = vector.broadcast %sub3A_141 : f32 to vector<2048xf32>
    %sub3A_143 = arith.subf %reduce_sum3A_140, %sub3A_142 : vector<2048xf32>
    %mul3A_144 = arith.constant 5.000000e-01 : f32
    %mul3A_145 = vector.broadcast %mul3A_144 : f32 to vector<2048xf32>
    %mul3A_146 = arith.mulf %mul3A_145, %sub3A_143 : vector<2048xf32>
    %log3A_147 = math.log %select_n3A : vector<2048x20xf32>
    %reduce_sum3A_148 = arith.constant dense<0.000000e+00> : vector<2048xf32>
    %reduce_sum3A_149 = vector.multi_reduction <add>, %log3A_147, %reduce_sum3A_148 [1] : vector<2048x20xf32> to vector<2048xf32>
    %sub3A_150 = arith.subf %mul3A_146, %reduce_sum3A_149 : vector<2048xf32>
    %mul3A_151 = arith.mulf %select_n3A_29, %select_n3A_29 : vector<2048x20xf32>
    %mul3A_152 = arith.mulf %slice3A_6, %slice3A_6 : vector<2048x20xf32>
    %add3A_153 = arith.addf %mul3A_151, %mul3A_152 : vector<2048x20xf32>
    %reduce_sum3A_154 = arith.constant dense<0.000000e+00> : vector<2048xf32>
    %reduce_sum3A_155 = vector.multi_reduction <add>, %add3A_153, %reduce_sum3A_154 [1] : vector<2048x20xf32> to vector<2048xf32>
    %sub3A_156 = arith.constant 2.000000e+01 : f32
    %sub3A_157 = vector.broadcast %sub3A_156 : f32 to vector<2048xf32>
    %sub3A_158 = arith.subf %reduce_sum3A_155, %sub3A_157 : vector<2048xf32>
    %mul3A_159 = arith.constant 5.000000e-01 : f32
    %mul3A_160 = vector.broadcast %mul3A_159 : f32 to vector<2048xf32>
    %mul3A_161 = arith.mulf %mul3A_160, %sub3A_158 : vector<2048xf32>
    %log3A_162 = math.log %select_n3A_29 : vector<2048x20xf32>
    %reduce_sum3A_163 = arith.constant dense<0.000000e+00> : vector<2048xf32>
    %reduce_sum3A_164 = vector.multi_reduction <add>, %log3A_162, %reduce_sum3A_163 [1] : vector<2048x20xf32> to vector<2048xf32>
    %sub3A_165 = arith.subf %mul3A_161, %reduce_sum3A_164 : vector<2048xf32>
    %stack3A_166 = vector.shape_cast %sub3A_150 : vector<2048xf32> to vector<2048x1xf32>
    %stack3A_167 = vector.shape_cast %sub3A_165 : vector<2048xf32> to vector<2048x1xf32>
    %stack3A_168 = tpu.concatenate %stack3A_166, %stack3A_167 in 1 : vector<2048x1xf32>, vector<2048x1xf32> -> vector<2048x2xf32>
    %swap3A_169 = arith.constant 0 : index
    %swap3A_170 = arith.constant 0 : index
    %swap3A_171 = vector.load %arg11[%swap3A_169, %swap3A_170] : memref<2048x2xf32, #tpu.memory_space<vmem>>, vector<2048x2xf32>
    tpu.vector_store %arg11[%swap3A_169, %swap3A_170], %stack3A_168 {strides = array<i32>} : memref<2048x2xf32, #tpu.memory_space<vmem>>, vector<2048x2xf32>,
    %eq3A = arith.constant 0 : i32
    %eq3A_172 = arith.cmpi eq, %arg0, %eq3A : i32
    %convert_element_type3A = arith.extui %eq3A_172 : i1 to i32
    %cond3A = arith.constant 0 : i32
    %cond3A_173 = arith.cmpi ne, %convert_element_type3A, %cond3A : i32
    scf.if %cond3A_173 {
      %get3A_174 = arith.constant 0 : index
      %get3A_175 = memref.load %arg7[%get3A_174] : memref<1xf32, #tpu.memory_space<smem>>
      %custom_jvp_call3A_176 = arith.constant 0.000000e+00 : f32
      %max3A_177 = arith.maximumf %get3A_175, %custom_jvp_call3A_176 : f32
      %sub3A_178 = arith.subf %get3A_175, %custom_jvp_call3A_176 : f32
      %ne3A_179 = arith.cmpf one, %sub3A_178, %sub3A_178 : f32
      %add3A_180 = arith.addf %get3A_175, %custom_jvp_call3A_176 : f32
      %abs3A_181 = math.absf %sub3A_178 : f32
      %neg3A_182 = arith.constant 0.000000e+00 : f32
      %neg3A_183 = arith.subf %neg3A_182, %abs3A_181 : f32
      %exp3A_184 = math.exp %neg3A_183 : f32
      %log1p3A_185 = math.log1p %exp3A_184 : f32
      %add3A_186 = arith.addf %max3A_177, %log1p3A_185 : f32
      %select_n3A_187 = arith.select %ne3A_179, %add3A_180, %add3A_186 : f32
      %div3A = arith.constant 1.000000e+00 : f32
      %div3A_188 = arith.divf %div3A, %select_n3A_187 : f32
      %sqrt3A = math.sqrt %div3A_188 : f32
      %broadcast_in_dim3A_189 = vector.broadcast %sqrt3A : f32 to vector<1x1xf32>
      %swap3A_190 = arith.constant 0 : index
      %swap3A_191 = arith.constant 0 : index
      %swap3A_192 = vector.load %arg12[%swap3A_190, %swap3A_191] : memref<1x1xf32, #tpu.memory_space<vmem>>, vector<1x1xf32>
      tpu.vector_store %arg12[%swap3A_190, %swap3A_191], %broadcast_in_dim3A_189 {strides = array<i32>} : memref<1x1xf32, #tpu.memory_space<vmem>>, vector<1x1xf32>,
    } else {
    }
    return
  }
  func.func @transform_0(%arg0: i32) -> (i32, i32) {
    %c0_i32 = arith.constant 0 : i32
    %c0_i32_0 = arith.constant 0 : i32
    return %arg0, %c0_i32 : i32, i32
  }
  func.func @transform_1(%arg0: i32) -> (i32, i32) {
    %c0_i32 = arith.constant 0 : i32
    %c0_i32_0 = arith.constant 0 : i32
    return %arg0, %c0_i32 : i32, i32
  }
  func.func @transform_2(%arg0: i32) -> (i32, i32) {
    %c0_i32 = arith.constant 0 : i32
    %c0_i32_0 = arith.constant 0 : i32
    return %arg0, %c0_i32 : i32, i32
  }
  func.func @transform_3(%arg0: i32) -> (i32, i32) {
    %c0_i32 = arith.constant 0 : i32
    %c0_i32_0 = arith.constant 0 : i32
    return %arg0, %c0_i32 : i32, i32
  }
  func.func @transform_4(%arg0: i32) -> (i32, i32) {
    %c0_i32 = arith.constant 0 : i32
    %c0_i32_0 = arith.constant 0 : i32
    return %arg0, %c0_i32 : i32, i32
  }
  func.func @transform_5(%arg0: i32) -> (i32, i32) {
    %c0_i32 = arith.constant 0 : i32
    %c0_i32_0 = arith.constant 0 : i32
    return %arg0, %c0_i32 : i32, i32
  }
  func.func @transform_6(%arg0: i32) -> i32 {
    %c0_i32 = arith.constant 0 : i32
    %c0_i32_0 = arith.constant 0 : i32
    return %c0_i32 : i32
  }
  func.func @transform_7(%arg0: i32) -> i32 {
    %c0_i32 = arith.constant 0 : i32
    %c0_i32_0 = arith.constant 0 : i32
    return %c0_i32 : i32
  }
  func.func @transform_8(%arg0: i32) -> (i32, i32) {
    %c0_i32 = arith.constant 0 : i32
    %c0_i32_0 = arith.constant 0 : i32
    return %arg0, %c0_i32 : i32, i32
  }
  func.func @transform_9(%arg0: i32) -> (i32, i32) {
    %c0_i32 = arith.constant 0 : i32
    %c0_i32_0 = arith.constant 0 : i32
    return %arg0, %c0_i32 : i32, i32
  }
  func.func @transform_10(%arg0: i32) -> (i32, i32) {
    %c0_i32 = arith.constant 0 : i32
    %c0_i32_0 = arith.constant 0 : i32
    return %arg0, %c0_i32 : i32, i32
  }
  func.func @transform_11(%arg0: i32) -> (i32, i32) {
    %c0_i32 = arith.constant 0 : i32
    %c0_i32_0 = arith.constant 0 : i32
    %c0_i32_1 = arith.constant 0 : i32
    return %c0_i32, %c0_i32_0 : i32, i32
  }
}

</mosaic_0001>

<sc_bundles>
// kernel: kernel.5.cloned.1.call-start
scs
__scs_entry_jumppad:
0x0: {  	(pc) =	sbr.rel $0x88, $3  }
0x1: {  	(tag) =	ssettag $0x0;
	lr =	simm.s32 $0x1  }
0x2: {  	[smem:$0x3F9C] =	sst lr;
	_ =	strace $0xD0000000  }
0x3: {  	_ = 	snop  }
0x4: {  	_ = 	snop  }
0x5: {  	_ = 	snop  }
0x6: {  	_ = 	snop  }
0x7: {  	_ = 	snop  }
__scs_overlays_trampoline_lowered:
0x8: {  	[smem:$0x3FAB] =	sst s0  }
0x9: {  	[smem:$0x3FAC] =	sst s1  }
0xa: {  	[smem:$0x3FAD] =	sst s2  }
0xb: {  	[smem:$0x3FAE] =	sst s3  }
0xc: {  	[smem:$0x3FAF] =	sst s4  }
0xd: {  	[smem:$0x3FB0] =	sst s5  }
0xe: {  	[smem:$0x3FB1] =	sst s6  }
0xf: {  	[smem:$0x3FB2] =	sst s7  }
0x10: {  	[smem:$0x3FB3] =	sst s8  }
0x11: {  	[smem:$0x3FB4] =	sst s9;
	s0 =	simm.s32 @!p0 $0x0  }
0x12: {  	s1 =	sld [smem:$0x3F9A];
	s0 =	simm.s32 @p0 $0x1  }
0x13: {  	[smem:$0x3FB5] =	sst s0;
	s0 =	simm.s32 @!p1 $0x0  }
0x14: {  	s2 =	sld [smem:$0x3F99];
	s0 =	simm.s32 @p1 $0x1  }
0x15: {  	[smem:$0x3FB6] =	sst s0;
	s0 =	simm.s32 @!p2 $0x0  }
0x16: {  	s3 =	sld [smem:$0x3FDB];
	s0 =	simm.s32 @p2 $0x1  }
0x17: {  	s4 =	simm.s32 $0x1BF5;
	[smem:$0x3FB8] =	sst s0  }
0x18: {  	s0 =	sld [smem:$0x3F9B];
	_ =	swait.ge [sflag:s4], $0x0  }
0x19: {  	s7 =	sld [smem:$0x3F9C]  }
0x1a: {  	s8 =	sadd.s32 $0xFFFFE003, lr  }
0x1b: {  	s9 =	sadd.s32 $0xFFFFFEF7, lr;
	s5 =	simm.s32 $0xFFFFFFFF;
	p2 =	slt.u32 s8, $0xFFFFF086  }
0x1c: {  	p1 =	slt.u32 s9, $0xF7A;
	s5 =	simm.s32 @!p2 $0x0  }
0x1d: {  	s5 =	simm.s32 @p1 $0x1;
	p0 =	seq.s32 s7, s2  }
0x1e: {  	s7 =	smul.u32 @!p0 $0xF7A, s2;
	p2 =	seq.s32 @!p0 s5, $0x0  }
0x1f: {  	s9 =	smul.u32 $0xF7A, s1;
	s8 =	simm.s32 @!p0 $0x1BF5;
	p2 =	por !p2, p0  }
0x20: {  	[sflag:s8] =	ssyncset.s32 @!p0 $0xFFFFF086;
	s6 =	sadd.s32 @!p0 s3, s7;
	s7 =	simm.s32 @!p0 $0x108  }
0x21: {  	s3 =	sadd.s32 s3, s9;
	s6 =	sadd.s32 @!p0 $0x88, s6;
	s7 =	simm.s32 @p2 $0x1082  }
0x22: {  	[simem:s7], [sflag:s8] =	dma.local @!p0 [hbm:s6], $0xF7A  }
0x23: {  	s9 =	sor.u32 $0xD0000000, s2;
	s6 =	simm.s32 $0x108;
	_ =	swait.ge @!p0 [sflag:s8], $0x0  }
0x24: {  	s3 =	sadd.s32 $0x88, s3;
	s6 =	simm.s32 @!p1 $0x1082;
	[sflag:s4] =	ssyncset.s32 $0xFFFFF086  }
0x25: {  	[simem:s6], [sflag:s4] =	dma.local [hbm:s3], $0xF7A  }
0x26: {  	[smem:$0x3F9C] =	sst s1;
	(tag) =	ssettag s2;
	_ =	strace s9  }
0x27: {  	s1 =	sld [smem:$0x3FAC]  }
0x28: {  	s2 =	sld [smem:$0x3FAD]  }
0x29: {  	s4 =	sld [smem:$0x3FAF]  }
0x2a: {  	p0 =	seq.s32 s5, $0x0;
	s5 =	sld [smem:$0x3FB0]  }
0x2b: {  	s6 =	sld [smem:$0x3FB1]  }
0x2c: {  	s7 =	sld [smem:$0x3FB2]  }
0x2d: {  	s3 =	simm.s32 $0x108;
	s8 =	sld [smem:$0x3FB3]  }
0x2e: {  	s3 =	simm.s32 @!p0 $0x1082;
	s9 =	sld [smem:$0x3FB4]  }
0x2f: {  	lr =	sadd.s32 s0, s3;
	s0 =	sld [smem:$0x3FAB]  }
0x30: {  	s3 =	sld [smem:$0x3FAE]  }
0x31: {  	[smem:$0x3FB7] =	sst s10  }
0x32: {  	s10 =	sld [smem:$0x3FB5];
	_ =	sdelay $0x3  }
0x33: {  	p0 =	seq.s32 s10, $0x1;
	s10 =	sld [smem:$0x3FB7];
	_ =	sdelay $0x3  }
0x34: {  	[smem:$0x3FB7] =	sst s10  }
0x35: {  	s10 =	sld [smem:$0x3FB6];
	_ =	sdelay $0x3  }
0x36: {  	p1 =	seq.s32 s10, $0x1;
	s10 =	sld [smem:$0x3FB7];
	_ =	sdelay $0x3  }
0x37: {  	[smem:$0x3FB7] =	sst s10  }
0x38: {  	s10 =	sld [smem:$0x3FB8]  }
0x39: {  	_ = 	snop;
	(pc) =	sbr.ind lr, $3  }
0x3a: {  	_ = 	snop  }
0x3b: {  	_ = 	snop  }
0x3c: {  	p2 =	seq.s32 s10, $0x1;
	s10 =	sld [smem:$0x3FB7]  }
0x3d: {  	_ =	shalt  }
0x3e: {  	_ =	shalt  }
0x3f: {  	_ =	shalt  }
0x40: {  	_ =	shalt  }
0x41: {  	_ =	shalt  }
0x42: {  	_ =	shalt  }
0x43: {  	_ =	shalt  }
0x44: {  	_ =	shalt  }
0x45: {  	_ =	shalt  }
0x46: {  	_ =	shalt  }
0x47: {  	_ =	shalt  }
0x48: {  	_ =	shalt  }
0x49: {  	_ =	shalt  }
0x4a: {  	_ =	shalt  }
0x4b: {  	_ =	shalt  }
0x4c: {  	_ =	shalt  }
0x4d: {  	_ =	shalt  }
0x4e: {  	_ =	shalt  }
0x4f: {  	_ =	shalt  }
0x50: {  	_ =	shalt  }
0x51: {  	_ =	shalt  }
0x52: {  	_ =	shalt  }
0x53: {  	_ =	shalt  }
0x54: {  	_ =	shalt  }
0x55: {  	_ =	shalt  }
0x56: {  	_ =	shalt  }
0x57: {  	_ =	shalt  }
0x58: {  	_ =	shalt  }
0x59: {  	_ =	shalt  }
0x5a: {  	_ =	shalt  }
0x5b: {  	_ =	shalt  }
0x5c: {  	_ =	shalt  }
0x5d: {  	_ =	shalt  }
0x5e: {  	_ =	shalt  }
0x5f: {  	_ =	shalt  }
0x60: {  	_ =	shalt  }
0x61: {  	_ =	shalt  }
0x62: {  	_ =	shalt  }
0x63: {  	_ =	shalt  }
0x64: {  	_ =	shalt  }
0x65: {  	_ =	shalt  }
0x66: {  	_ =	shalt  }
0x67: {  	_ =	shalt  }
0x68: {  	_ =	shalt  }
0x69: {  	_ =	shalt  }
0x6a: {  	_ =	shalt  }
0x6b: {  	_ =	shalt  }
0x6c: {  	_ =	shalt  }
0x6d: {  	_ =	shalt  }
0x6e: {  	_ =	shalt  }
0x6f: {  	_ =	shalt  }
0x70: {  	_ =	shalt  }
0x71: {  	_ =	shalt  }
0x72: {  	_ =	shalt  }
0x73: {  	_ =	shalt  }
0x74: {  	_ =	shalt  }
0x75: {  	_ =	shalt  }
0x76: {  	_ =	shalt  }
0x77: {  	_ =	shalt  }
0x78: {  	_ =	shalt  }
0x79: {  	_ =	shalt  }
0x7a: {  	_ =	shalt  }
0x7b: {  	_ =	shalt  }
0x7c: {  	_ =	shalt  }
0x7d: {  	_ =	shalt  }
0x7e: {  	_ =	shalt  }
0x7f: {  	_ =	shalt  }
0x80: {  	_ =	shalt  }
0x81: {  	_ =	shalt  }
0x82: {  	_ =	shalt  }
0x83: {  	_ =	shalt  }
0x84: {  	_ =	shalt  }
0x85: {  	_ =	shalt  }
0x86: {  	_ =	shalt  }
0x87: {  	_ =	shalt  }
.Lfunc_end0:
.L_simem_size_0:
called_computation_lowered:
.L_overlay_start_0:
0x88: {  	s2 =	sld [smem:$0x3FD9]  }
0x89: {  	s3 =	sld [smem:$0x3FFE];
	_ =	sdelay $0x1  }
0x8a: {  	s1 =	srdreg.scid  }
0x8b: {  	s0 =	sand.u32 $0x1, s1  }
0x8c: {  	s15 =	sshll.u32 s0, $0xA;
	s2 =	sadd.s32 s3, s2  }
0x8d: {  	s2 =	sadd.s32 s2, s15  }
0x8e: {  	[smem:$0x3FC3] =	sst s2  }
0x8f: {  	_ = 	snop  }
0x90: {  	s2 =	sld [smem:$0x3FD0];
	_ =	sdelay $0x2  }
0x91: {  	s16 =	simm.s32 $0xB;
	s4 =	simm.s32 $0x10  }
0x92: {  	[smem:s4], [sflag:s16] =	dma.local [hbm:s2], $0x1  }
0x93: {  	_ =	swait.eq [sflag:s16], $0x1  }
0x94: {  	[sflag:s16] =	ssyncset.done $0x0  }
0x95: {  	[sflag:s16] =	ssyncadd.s32 $0xFFFFFFFF  }
0x96: {  	s17 =	sld [smem:$0x13];
	(tm) =	ssettm $0x1  }
0x97: {  	s18 =	sld [smem:$0x3FFB];
	_ =	sdelay $0x3  }
0x98: {  	_ =	strace s18  }
0x99: {  	s2 =	sld [smem:$0x3FFC];
	_ =	sdelay $0x3  }
0x9a: {  	_ =	strace s2  }
0x9b: {  	s2 =	sld [smem:$0x3FFD];
	_ =	sdelay $0x3  }
0x9c: {  	_ =	strace s2  }
0x9d: {  	_ =	strace $0x8FFFFFFF  }
0x9e: {  	s19 =	sld [smem:$0x3FDB];
	_ =	sdelay $0x1  }
0x9f: {  	s20 =	simm.s32 $_scs_section_size  }
0xa0: {  	s5 =	simm.s32 $_size__tile_overlayer_lowered;
	s6 =	simm.s32 $_tile_overlayer_lowered  }
0xa1: {  	s7 =	simm.s32 $0x1BFF;
	s21 =	sshll.u32 s6, $0x1;
	s4 =	sadd.s32 s20, s19  }
0xa2: {  	s22 =	simm.s32 $0x0;
	s5 =	sshll.u32 s5, $0x1;
	s6 =	sadd.s32 s21, s4  }
0xa3: {  	[timem:s22], [sflag:s7] =	dma.local [hbm:s6], s5  }
0xa4: {  	_ =	swait.ge [sflag:s7], s5  }
0xa5: {  	s5 =	ssub.s32 $0x0, s5;
	[sflag:s7] =	ssyncset.done $0x0  }
0xa6: {  	[sflag:s7] =	ssyncadd.s32 s5;
	_ =	sdelay $0x1  }
0xa7: {  	s23 =	simm.s32 $0x1B8B  }
0xa8: {  	_ =	swait.ge [sflag:s23], $0x1  }
0xa9: {  	[sflag:s23] =	ssyncset.done $0x0  }
0xaa: {  	[sflag:s23] =	ssyncadd.s32 $0xFFFFFFFF  }
0xab: {  	s5 =	sld [smem:$0x0]  }
0xac: {  	s6 =	sand.u32 $0xFFFFFFFE, s1  }
0xad: {  	p0 =	sne.s32 s1, s6  }
0xae: {  	s6 =	sshll.u32 @p0 s6, $0xE  }
0xaf: {  	s6 =	sadd.s32 @p0 $0x11B8D, s6;
	s7 =	sshll.u32 @p0 s5, $0x11  }
0xb0: {  	s6 =	sor.u32 @p0 s7, s6  }
0xb1: {  	[sflag:s6] =	ssyncadd.remote.s32 @p0 $0x1;
	_ =	sdelay $0x1  }
0xb2: {  	s6 =	simm.s32 @p0 $0x1B8D  }
0xb3: {  	_ =	swait.eq @p0 [sflag:s6], $0x1  }
0xb4: {  	[sflag:s6] =	ssyncadd.s32 @p0 $0xFFFFFFFF  }
0xb5: {  	s7 =	sshll.u32 @!p0 s1, $0xE  }
0xb6: {  	s7 =	sor.u32 @!p0 $0x4000, s7;
	s6 =	simm.s32 @!p0 $0x1B8D  }
0xb7: {  	s5 =	sshll.u32 @!p0 s5, $0x11;
	s7 =	sadd.s32 @!p0 $0x11B8D, s7;
	_ =	swait.eq @!p0 [sflag:s6], $0x1  }
0xb8: {  	s5 =	sor.u32 @!p0 s5, s7;
	[sflag:s6] =	ssyncadd.s32 @!p0 $0xFFFFFFFF  }
0xb9: {  	s25 =	simm.s32 $0x1B8E;
	s24 =	sld [smem:$0x3FFE];
	[sflag:s5] =	ssyncadd.remote.s32 @!p0 $0x1  }
0xba: {  	s26 =	simm.s32 $execute0_lowered;
	[smem:$0x3FD2] =	sst s25  }
0xbb: {  	s6 =	sshll.u32 s26, $0x1;
	_ =	strace $0x80000049;
	[dreg:$0x1] =	wrdreg $0xFFFFFFFF  }
0xbc: {  	s28 =	simm.s32 $_size_execute0_lowered;
	s4 =	sadd.s32 s4, s6;
	[dreg:$0x0] =	wrdreg $0x0  }
0xbd: {  	s6 =	sshll.u32 s28, $0x1;
	[dreg:$0x2] =	wrdreg s4  }
0xbe: {  	[dreg:$0x3] =	wrdreg s6  }
0xbf: {  	[dreg:$0x4] =	wrdreg $0xC0  }
0xc0: {  	_ =	task [dreg:s22], $0x5FFFF  }
0xc1: {  	[dreg:$0x1] =	wrdreg $0xFFFFFFFF  }
0xc2: {  	[dreg:$0x0] =	wrdreg $0x60  }
0xc3: {  	[dreg:$0x2] =	wrdreg s17  }
0xc4: {  	[dreg:$0x3] =	wrdreg s24  }
0xc5: {  	[dreg:$0x4] =	wrdreg $0x9  }
0xc6: {  	_ =	task.clear_ibuf [dreg:s22], $0x5FFFF;
	_ =	strace $0x90000049  }
0xc7: {  	s29 =	simm.s32 $0x9;
	_ =	strace $0x8000004B  }
0xc8: {  	_ =	swait.ge [sflag:s29], $0x1  }
0xc9: {  	[sflag:s29] =	ssyncadd.s32 $0xFFFFFFFF  }
0xca: {  	_ =	strace $0x9000004B  }
0xcb: {  	_ =	sfence  }
0xcc: {  	s30 =	sld [smem:$0x0];
	_ =	sdelay $0x2  }
0xcd: {  	s31 =	sshll.u32 s1, $0xD;
	s1 =	sshrl.u32 s1, $0x2  }
0xce: {  	s4 =	sand.u32 $0x4000, s31;
	s1 =	sadd.s32 s1, s30  }
0xcf: {  	s0 =	sor.u32 s4, s0;
	s1 =	sshll.u32 s1, $0x11  }
0xd0: {  	s0 =	sor.u32 s1, s0  }
0xd1: {  	s0 =	sadd.s32 $0x8F2B, s0  }
0xd2: {  	[sflag:s0] =	ssyncadd.remote.s32 $0x1  }
0xd3: {  	_ =	sfence.sel $0xFFFF  }
0xd4: {  	[dreg:$0x0] =	wrdreg $0xFFFFFFFF;
	(pc) =	sbr.abs _section_cstart, $3  }
0xd5: {  	[dreg:$0x1] =	wrdreg $0xFFFFFFFF  }
0xd6: {  	_ =	task.clear_ibuf [dreg:s22], $0x2FFFF;
	_ =	strace $0x9FFFFFFF  }
0xd7: {  	(tm) =	ssettm $0x7FFFFFFF  }
tec
execute0_lowered:
.L_overlay_start_1:
0x0: {  	(tag) =	ssettag $0x1  }
0x1: {  	s4 =	rddreg [dreg:$0x0]  }
0x2: {  	s5 =	rddreg [dreg:$0x1]  }
0x3: {  	s0 =	rddreg [dreg:$0x2];
	s2 =	simm.s32 $0x0  }
0x4: {  	s1 =	stileid.u32;
	s3 =	srdreg.scid;
	s11 =	simm.s32 $0x1  }
0x5: {  	s12 =	simm.s32 $0x2;
	s13 =	simm.s32 $0x0;
	[smem:$0x7FF] =	sst s2  }
0x6: {  	s6 =	sshll.u32 s1, $0xE;
	s7 =	sand.u32 $0x1, s3;
	s3 =	sadd.s32 $0x3F600, s5  }
0x7: {  	s9 =	sshll.u32 s1, $0x8;
	s31 =	sshll.u32 s1, $0x6;
	_ =	strace $0x8000004A  }
0x8: {  	s6 =	sadd.s32 s6, s5;
	s29 =	ssub.s32 $0x2, s7;
	s10 =	sshll.u32 s7, $0x7  }
0x9: {  	s7 =	sshll.u32 s7, $0xD;
	s8 =	sshrl.u32 s29, $0x1;
	s30 =	sor.u32 s10, s9  }
0xa: {  	s7 =	sadd.s32 s7, s6;
	s9 =	sor.u32 $0x1C01, s31;
	s10 =	sor.u32 $0x1C02, s31  }
0xb: {  	s5 =	ssub.s32 s29, s8;
	s4 =	sadd.s32 s4, s30;
	s6 =	sadd.s32 $0xF81A00, s7  }
0xc: {  	v0 =	vlaneseq.u32;
	s7 =	sadd.s32 $0xFC1A00, s7;
	s8 =	simm.s32 $0x3;
	s5 =	smax.u32 s5, $0x1  }
.LBB2_1:
0xd: {  	[tilespmem:s2], [sflag:$0x3] =	stream.linear.gather [hbm4b:s4+s2], $0x400, $0x38;
	[tilespmem:$0x400] =	vst v63  }
0xe: {  	_ =	swait.ge [sflag:s8], $0x400  }
0xf: {  	s14 =	sand.u32 $0xFC0, s2;
	[sflag:s8] =	ssyncset.done $0x0  }
0x10: {  	s14 =	sshrl.u32 s14, $0x2;
	[sflag:s8] =	ssyncadd.s32 $0xFFFFFC00  }
0x11: {  	v1 =	vld [tilespmem:s14+$0x0];
	_ =	sdelay $0x2  }
0x12: {  	s31 =	sand.u32 $0xE, s2  }
0x13: {  	v2 =	vmov s31  }
0x14: {  	vm0 =	veq.s32 v2, v0;
	v1 =	vxor.u32 $0x80000000, v1  }
0x15: {  	v2 =	vnsel vm0, $0x80000000, v1  }
0x16: {  	(xrf0) =	vmax.scan.msk.u32 $0xffff, v2;
	_ =	sdelay $0x5  }
0x17: {  	s14 =	sor.u32 $0x1, s31;
	v2, _, _ =	vpop (xrf0)  }
0x18: {  	(v2sf) =	vpush v2, $0xF;
	v2 =	vmov s14  }
0x19: {  	vm15 =	veq.s32 v2, v0  }
0x1a: {  	v1 =	vnsel vm15, $0x80000000, v1  }
0x1b: {  	(xrf0) =	vmax.scan.msk.u32 $0xffff, v1;
	_ =	sdelay $0x5  }
0x1c: {  	v1, _, _ =	vpop (xrf0)  }
0x1d: {  	(v2sf) =	vpush v1, $0xF;
	_ =	sdelay $0xa  }
0x1e: {  	s17 =	simm.s32 $0x8;
	s21 =	simm.s32 $0x10  }
0x1f: {  	s16 =	simm.s32 $0x2;
	s15 =	sadd.s32 $0x10, s7;
	s19 =	smov.u32 s6  }
0x20: {  	s18 =	smov.u32 s7;
	s14 =	sadd.s32 $0x10, s6;
	s22 =	spop (v2sf)  }
.LBB2_2:
0x21: {  	s23 =	sand.u32 $0xFC0, s17  }
0x22: {  	s24 =	spop (v2sf);
	s17 =	smov.u32 s21;
	s20 =	sadd.s32 $0x8, s21  }
0x23: {  	p0 =	sne.s32 s21, $0xFF8;
	s21 =	sshll.u32 s22, $0x4;
	s22 =	sshll.u32 s24, $0x4  }
0x24: {  	s21 =	sand.u32 $0x1FFFFFF0, s21;
	s22 =	sand.u32 $0x1FFFFFF0, s22  }
0x25: {  	s23 =	sshrl.u32 s23, $0x2;
	s21 =	sadd.s32 s3, s21;
	s22 =	sadd.s32 s3, s22  }
0x26: {  	[hbm:s19], [sflag:s9] =	dma.local [hbm:s21], $0x10  }
0x27: {  	[hbm:s18], [sflag:s10] =	dma.local [hbm:s22], $0x10  }
0x28: {  	s19 =	smov.u32 s14;
	s18 =	smov.u32 s15;
	v1 =	vld [tilespmem:s23+$0x0];
	_ =	sdelay $0x1  }
0x29: {  	s21 =	sand.u32 $0xE, s16  }
0x2a: {  	s22 =	sor.u32 $0x1, s21;
	v2 =	vmov s21  }
0x2b: {  	v3 =	vmov s22  }
0x2c: {  	vm1 =	veq.s32 v2, v0;
	vm0 =	veq.s32 v3, v0;
	v1 =	vxor.u32 $0x80000000, v1  }
0x2d: {  	v2 =	vnsel vm0, $0x80000000, v1;
	v1 =	vnsel vm1, $0x80000000, v1  }
0x2e: {  	(xrf0) =	vmax.scan.msk.u32 $0xffff, v1  }
0x2f: {  	(xrf0) =	vmax.scan.msk.u32 $0xffff, v2;
	_ =	sdelay $0x4  }
0x30: {  	v1, _, _ =	vpop (xrf0)  }
0x31: {  	v2, _, _ =	vpop (xrf0);
	(v2sf) =	vpush v1, $0xF  }
0x32: {  	(v2sf) =	vpush v2, $0xF;
	_ =	sdelay $0x9  }
.Ltmp0:
0x33: {  	(pc) =	sbr.rel @p0 .LBB2_2-.Ltmp0, $3  }
0x34: {  	_ =	sdelay $0x1  }
0x35: {  	s16 =	sadd.s32 $0x2, s16;
	s14 =	sadd.s32 $0x10, s14  }
0x36: {  	s15 =	sadd.s32 $0x10, s15;
	s21 =	smov.u32 s20;
	s22 =	spop (v2sf)  }
0x37: {  	s20 =	spop (v2sf)  }
0x38: {  	s21 =	sshll.u32 s22, $0x4;
	s20 =	sshll.u32 s20, $0x4  }
0x39: {  	s17 =	sand.u32 $0xFC0, s17;
	s21 =	sand.u32 $0x1FFFFFF0, s21;
	s20 =	sand.u32 $0x1FFFFFF0, s20  }
0x3a: {  	s17 =	sshrl.u32 s17, $0x2;
	s21 =	sadd.s32 s3, s21;
	s20 =	sadd.s32 s3, s20  }
0x3b: {  	[hbm:s19], [sflag:s9] =	dma.local [hbm:s21], $0x10  }
0x3c: {  	[hbm:s18], [sflag:s10] =	dma.local [hbm:s20], $0x10  }
0x3d: {  	v1 =	vld [tilespmem:s17+$0x0];
	_ =	sdelay $0x2  }
0x3e: {  	s16 =	sand.u32 $0xE, s16  }
0x3f: {  	s29 =	sor.u32 $0x1, s16;
	v2 =	vmov s16  }
0x40: {  	v3 =	vmov s29;
	vm0 =	veq.s32 v2, v0;
	v1 =	vxor.u32 $0x80000000, v1  }
0x41: {  	vm1 =	veq.s32 v3, v0;
	v2 =	vnsel vm0, $0x80000000, v1  }
0x42: {  	v1 =	vnsel vm1, $0x80000000, v1;
	(xrf0) =	vmax.scan.msk.u32 $0xffff, v2  }
0x43: {  	(xrf0) =	vmax.scan.msk.u32 $0xffff, v1;
	_ =	sdelay $0x4  }
0x44: {  	v1, _, _ =	vpop (xrf0)  }
0x45: {  	v2, _, _ =	vpop (xrf0);
	(v2sf) =	vpush v1, $0xF  }
0x46: {  	(v2sf) =	vpush v2, $0xF;
	_ =	sdelay $0xd  }
0x47: {  	s30 =	spop (v2sf)  }
0x48: {  	s31 =	spop (v2sf)  }
0x49: {  	s16 =	sshll.u32 s30, $0x4;
	s17 =	sshll.u32 s31, $0x4  }
0x4a: {  	s16 =	sand.u32 $0x1FFFFFF0, s16;
	s17 =	sand.u32 $0x1FFFFFF0, s17  }
0x4b: {  	s13 =	sadd.s32 $0x1, s13;
	s16 =	sadd.s32 s3, s16;
	s17 =	sadd.s32 s3, s17  }
0x4c: {  	[hbm:s14], [sflag:s9] =	dma.local [hbm:s16], $0x10  }
0x4d: {  	[hbm:s15], [sflag:s10] =	dma.local [hbm:s17], $0x10  }
0x4e: {  	p0 =	sne.s32 s13, s5;
	_ =	swait.ge [sflag:s11], $0x2000  }
.Ltmp1:
0x4f: {  	[sflag:s11] =	ssyncset.done $0x0;
	(pc) =	sbr.rel @p0 .LBB2_1-.Ltmp1, $4  }
0x50: {  	[sflag:s11] =	ssyncadd.s32 $0xFFFFE000  }
0x51: {  	_ =	swait.ge [sflag:s12], $0x2000  }
0x52: {  	[sflag:s12] =	ssyncset.done $0x0  }
0x53: {  	[sflag:s12] =	ssyncadd.s32 $0xFFFFE000  }
0x54: {  	_ =	sfence.sel $0x180000  }
0x55: {  	[bflag:$0x0] =	sbarrier.arrive $0xFFFF  }
0x56: {  	p0 =	sne.s32 s1, $0x0;
	_ =	strace $0x9000004A  }
0x57: {  	s0 =	sadd.s32 @!p0 $0x100000, s0;
	[bflag:$0x2] =	sbarrier.arrive $0xFFFF  }
0x58: {  	[sflag:s0] =	ssyncadd.tile.s32 @!p0 $0x1;
	_ =	shalt  }
.Lfunc_end2:
_tile_overlayer_lowered:
.L_overlay_start_2:
0x59: {  	(tag) =	ssettag $0x2  }
0x5a: {  	s0 =	rddreg [dreg:$0x0];
	s2 =	stileid.u32  }
0x5b: {  	s1 =	rddreg [dreg:$0x1];
	p0 =	sne.s32 s2, $0x0  }
0x5c: {  	s3 =	rddreg [dreg:$0x2];
	[bflag:$0x3] =	sbarrier.arrive $0xFFFF;
	s2 =	simm.s32 @!p0 $0x1C03  }
0x5d: {  	[timem:s3], [sflag:s2] =	dma.local @!p0 [hbm:s0], s1  }
0x5e: {  	s0 =	simm.s32 @!p0 $0x3  }
0x5f: {  	_ =	swait.ge @!p0 [sflag:s0], s1  }
0x60: {  	s1 =	ssub.s32 @!p0 $0x0, s1;
	[sflag:s0] =	ssyncset.done @!p0 $0x0  }
0x61: {  	[sflag:s0] =	ssyncadd.s32 @!p0 s1  }
0x62: {  	[bflag:$0x3] =	sbarrier.arrive $0xFFFF  }
0x63: {  	_ =	shalt  }

// kernel: kernel.8.cloned.1.call-start
scs
__scs_entry_jumppad:
0x0: {  	(pc) =	sbr.rel $0x88, $3  }
0x1: {  	(tag) =	ssettag $0x0;
	lr =	simm.s32 $0x1  }
0x2: {  	[smem:$0x3F9C] =	sst lr;
	_ =	strace $0xD0000000  }
0x3: {  	_ = 	snop  }
0x4: {  	_ = 	snop  }
0x5: {  	_ = 	snop  }
0x6: {  	_ = 	snop  }
0x7: {  	_ = 	snop  }
__scs_overlays_trampoline_lowered:
0x8: {  	[smem:$0x3FAB] =	sst s0  }
0x9: {  	[smem:$0x3FAC] =	sst s1  }
0xa: {  	[smem:$0x3FAD] =	sst s2  }
0xb: {  	[smem:$0x3FAE] =	sst s3  }
0xc: {  	[smem:$0x3FAF] =	sst s4  }
0xd: {  	[smem:$0x3FB0] =	sst s5  }
0xe: {  	[smem:$0x3FB1] =	sst s6  }
0xf: {  	[smem:$0x3FB2] =	sst s7  }
0x10: {  	[smem:$0x3FB3] =	sst s8  }
0x11: {  	[smem:$0x3FB4] =	sst s9;
	s0 =	simm.s32 @!p0 $0x0  }
0x12: {  	s1 =	sld [smem:$0x3F9A];
	s0 =	simm.s32 @p0 $0x1  }
0x13: {  	[smem:$0x3FB5] =	sst s0;
	s0 =	simm.s32 @!p1 $0x0  }
0x14: {  	s2 =	sld [smem:$0x3F99];
	s0 =	simm.s32 @p1 $0x1  }
0x15: {  	[smem:$0x3FB6] =	sst s0;
	s0 =	simm.s32 @!p2 $0x0  }
0x16: {  	s3 =	sld [smem:$0x3FDB];
	s0 =	simm.s32 @p2 $0x1  }
0x17: {  	s4 =	simm.s32 $0x1BF5;
	[smem:$0x3FB8] =	sst s0  }
0x18: {  	s0 =	sld [smem:$0x3F9B];
	_ =	swait.ge [sflag:s4], $0x0  }
0x19: {  	s7 =	sld [smem:$0x3F9C]  }
0x1a: {  	s8 =	sadd.s32 $0xFFFFE003, lr  }
0x1b: {  	s9 =	sadd.s32 $0xFFFFFEF7, lr;
	s5 =	simm.s32 $0xFFFFFFFF;
	p2 =	slt.u32 s8, $0xFFFFF086  }
0x1c: {  	p1 =	slt.u32 s9, $0xF7A;
	s5 =	simm.s32 @!p2 $0x0  }
0x1d: {  	s5 =	simm.s32 @p1 $0x1;
	p0 =	seq.s32 s7, s2  }
0x1e: {  	s7 =	smul.u32 @!p0 $0xF7A, s2;
	p2 =	seq.s32 @!p0 s5, $0x0  }
0x1f: {  	s9 =	smul.u32 $0xF7A, s1;
	s8 =	simm.s32 @!p0 $0x1BF5;
	p2 =	por !p2, p0  }
0x20: {  	[sflag:s8] =	ssyncset.s32 @!p0 $0xFFFFF086;
	s6 =	sadd.s32 @!p0 s3, s7;
	s7 =	simm.s32 @!p0 $0x108  }
0x21: {  	s3 =	sadd.s32 s3, s9;
	s6 =	sadd.s32 @!p0 $0x88, s6;
	s7 =	simm.s32 @p2 $0x1082  }
0x22: {  	[simem:s7], [sflag:s8] =	dma.local @!p0 [hbm:s6], $0xF7A  }
0x23: {  	s9 =	sor.u32 $0xD0000000, s2;
	s6 =	simm.s32 $0x108;
	_ =	swait.ge @!p0 [sflag:s8], $0x0  }
0x24: {  	s3 =	sadd.s32 $0x88, s3;
	s6 =	simm.s32 @!p1 $0x1082;
	[sflag:s4] =	ssyncset.s32 $0xFFFFF086  }
0x25: {  	[simem:s6], [sflag:s4] =	dma.local [hbm:s3], $0xF7A  }
0x26: {  	[smem:$0x3F9C] =	sst s1;
	(tag) =	ssettag s2;
	_ =	strace s9  }
0x27: {  	s1 =	sld [smem:$0x3FAC]  }
0x28: {  	s2 =	sld [smem:$0x3FAD]  }
0x29: {  	s4 =	sld [smem:$0x3FAF]  }
0x2a: {  	p0 =	seq.s32 s5, $0x0;
	s5 =	sld [smem:$0x3FB0]  }
0x2b: {  	s6 =	sld [smem:$0x3FB1]  }
0x2c: {  	s7 =	sld [smem:$0x3FB2]  }
0x2d: {  	s3 =	simm.s32 $0x108;
	s8 =	sld [smem:$0x3FB3]  }
0x2e: {  	s3 =	simm.s32 @!p0 $0x1082;
	s9 =	sld [smem:$0x3FB4]  }
0x2f: {  	lr =	sadd.s32 s0, s3;
	s0 =	sld [smem:$0x3FAB]  }
0x30: {  	s3 =	sld [smem:$0x3FAE]  }
0x31: {  	[smem:$0x3FB7] =	sst s10  }
0x32: {  	s10 =	sld [smem:$0x3FB5];
	_ =	sdelay $0x3  }
0x33: {  	p0 =	seq.s32 s10, $0x1;
	s10 =	sld [smem:$0x3FB7];
	_ =	sdelay $0x3  }
0x34: {  	[smem:$0x3FB7] =	sst s10  }
0x35: {  	s10 =	sld [smem:$0x3FB6];
	_ =	sdelay $0x3  }
0x36: {  	p1 =	seq.s32 s10, $0x1;
	s10 =	sld [smem:$0x3FB7];
	_ =	sdelay $0x3  }
0x37: {  	[smem:$0x3FB7] =	sst s10  }
0x38: {  	s10 =	sld [smem:$0x3FB8]  }
0x39: {  	_ = 	snop;
	(pc) =	sbr.ind lr, $3  }
0x3a: {  	_ = 	snop  }
0x3b: {  	_ = 	snop  }
0x3c: {  	p2 =	seq.s32 s10, $0x1;
	s10 =	sld [smem:$0x3FB7]  }
0x3d: {  	_ =	shalt  }
0x3e: {  	_ =	shalt  }
0x3f: {  	_ =	shalt  }
0x40: {  	_ =	shalt  }
0x41: {  	_ =	shalt  }
0x42: {  	_ =	shalt  }
0x43: {  	_ =	shalt  }
0x44: {  	_ =	shalt  }
0x45: {  	_ =	shalt  }
0x46: {  	_ =	shalt  }
0x47: {  	_ =	shalt  }
0x48: {  	_ =	shalt  }
0x49: {  	_ =	shalt  }
0x4a: {  	_ =	shalt  }
0x4b: {  	_ =	shalt  }
0x4c: {  	_ =	shalt  }
0x4d: {  	_ =	shalt  }
0x4e: {  	_ =	shalt  }
0x4f: {  	_ =	shalt  }
0x50: {  	_ =	shalt  }
0x51: {  	_ =	shalt  }
0x52: {  	_ =	shalt  }
0x53: {  	_ =	shalt  }
0x54: {  	_ =	shalt  }
0x55: {  	_ =	shalt  }
0x56: {  	_ =	shalt  }
0x57: {  	_ =	shalt  }
0x58: {  	_ =	shalt  }
0x59: {  	_ =	shalt  }
0x5a: {  	_ =	shalt  }
0x5b: {  	_ =	shalt  }
0x5c: {  	_ =	shalt  }
0x5d: {  	_ =	shalt  }
0x5e: {  	_ =	shalt  }
0x5f: {  	_ =	shalt  }
0x60: {  	_ =	shalt  }
0x61: {  	_ =	shalt  }
0x62: {  	_ =	shalt  }
0x63: {  	_ =	shalt  }
0x64: {  	_ =	shalt  }
0x65: {  	_ =	shalt  }
0x66: {  	_ =	shalt  }
0x67: {  	_ =	shalt  }
0x68: {  	_ =	shalt  }
0x69: {  	_ =	shalt  }
0x6a: {  	_ =	shalt  }
0x6b: {  	_ =	shalt  }
0x6c: {  	_ =	shalt  }
0x6d: {  	_ =	shalt  }
0x6e: {  	_ =	shalt  }
0x6f: {  	_ =	shalt  }
0x70: {  	_ =	shalt  }
0x71: {  	_ =	shalt  }
0x72: {  	_ =	shalt  }
0x73: {  	_ =	shalt  }
0x74: {  	_ =	shalt  }
0x75: {  	_ =	shalt  }
0x76: {  	_ =	shalt  }
0x77: {  	_ =	shalt  }
0x78: {  	_ =	shalt  }
0x79: {  	_ =	shalt  }
0x7a: {  	_ =	shalt  }
0x7b: {  	_ =	shalt  }
0x7c: {  	_ =	shalt  }
0x7d: {  	_ =	shalt  }
0x7e: {  	_ =	shalt  }
0x7f: {  	_ =	shalt  }
0x80: {  	_ =	shalt  }
0x81: {  	_ =	shalt  }
0x82: {  	_ =	shalt  }
0x83: {  	_ =	shalt  }
0x84: {  	_ =	shalt  }
0x85: {  	_ =	shalt  }
0x86: {  	_ =	shalt  }
0x87: {  	_ =	shalt  }
.Lfunc_end0:
.L_simem_size_0:
called_computation.1_lowered:
.L_overlay_start_0:
0x88: {  	s2 =	sld [smem:$0x3FD9]  }
0x89: {  	s3 =	sld [smem:$0x3FFE];
	_ =	sdelay $0x1  }
0x8a: {  	s1 =	srdreg.scid  }
0x8b: {  	s0 =	sand.u32 $0x1, s1  }
0x8c: {  	s14 =	sshll.u32 s0, $0xA;
	s2 =	sadd.s32 s3, s2  }
0x8d: {  	s2 =	sadd.s32 s2, s14  }
0x8e: {  	[smem:$0x3FC3] =	sst s2  }
0x8f: {  	_ = 	snop  }
0x90: {  	s2 =	sld [smem:$0x3FD0];
	_ =	sdelay $0x2  }
0x91: {  	s15 =	simm.s32 $0xB;
	s4 =	simm.s32 $0x10  }
0x92: {  	[smem:s4], [sflag:s15] =	dma.local [hbm:s2], $0x1  }
0x93: {  	_ =	swait.eq [sflag:s15], $0x1  }
0x94: {  	[sflag:s15] =	ssyncset.done $0x0  }
0x95: {  	s16 =	sld [smem:$0x12];
	[sflag:s15] =	ssyncadd.s32 $0xFFFFFFFF  }
0x96: {  	s17 =	sld [smem:$0x13];
	(tm) =	ssettm $0x1  }
0x97: {  	s18 =	sld [smem:$0x3FFB];
	_ =	sdelay $0x3  }
0x98: {  	_ =	strace s18  }
0x99: {  	s4 =	sld [smem:$0x3FFC];
	_ =	sdelay $0x3  }
0x9a: {  	_ =	strace s4  }
0x9b: {  	s4 =	sld [smem:$0x3FFD];
	_ =	sdelay $0x3  }
0x9c: {  	_ =	strace s4  }
0x9d: {  	_ =	strace $0x8FFFFFFF  }
0x9e: {  	s19 =	sld [smem:$0x3FDB];
	_ =	sdelay $0x1  }
0x9f: {  	s5 =	simm.s32 $_scs_section_size  }
0xa0: {  	s6 =	simm.s32 $_size__tile_overlayer_lowered;
	s7 =	simm.s32 $_tile_overlayer_lowered  }
0xa1: {  	s22 =	simm.s32 $0x1BFF;
	s21 =	sshll.u32 s7, $0x1;
	s4 =	sadd.s32 s5, s19  }
0xa2: {  	s8 =	simm.s32 $0x0;
	s20 =	sshll.u32 s6, $0x1;
	s6 =	sadd.s32 s21, s4  }
0xa3: {  	[timem:s8], [sflag:s22] =	dma.local [hbm:s6], s20  }
0xa4: {  	_ =	swait.ge [sflag:s22], s20  }
0xa5: {  	s5 =	ssub.s32 $0x0, s20;
	[sflag:s22] =	ssyncset.done $0x0  }
0xa6: {  	[sflag:s22] =	ssyncadd.s32 s5;
	_ =	sdelay $0x1  }
0xa7: {  	s23 =	simm.s32 $0x1B8B  }
0xa8: {  	_ =	swait.ge [sflag:s23], $0x1  }
0xa9: {  	[sflag:s23] =	ssyncset.done $0x0  }
0xaa: {  	s25 =	simm.s32 $0x1B8E;
	s24 =	sld [smem:$0x3FFE];
	[sflag:s23] =	ssyncadd.s32 $0xFFFFFFFF  }
0xab: {  	s26 =	simm.s32 $execute0_lowered;
	[smem:$0x3FD2] =	sst s25  }
0xac: {  	s6 =	sshll.u32 s26, $0x1;
	_ =	strace $0x80000046;
	[dreg:$0x1] =	wrdreg $0xFFFFFFFF  }
0xad: {  	s28 =	simm.s32 $_size_execute0_lowered;
	s4 =	sadd.s32 s4, s6;
	[dreg:$0x0] =	wrdreg $0x0  }
0xae: {  	s6 =	sshll.u32 s28, $0x1;
	[dreg:$0x2] =	wrdreg s4  }
0xaf: {  	[dreg:$0x3] =	wrdreg s6  }
0xb0: {  	[dreg:$0x4] =	wrdreg $0xC0  }
0xb1: {  	_ =	task [dreg:s8], $0x5FFFF  }
0xb2: {  	[dreg:$0x1] =	wrdreg $0xFFFFFFFF  }
0xb3: {  	[dreg:$0x0] =	wrdreg $0x60  }
0xb4: {  	[dreg:$0x2] =	wrdreg s17  }
0xb5: {  	[dreg:$0x3] =	wrdreg s24  }
0xb6: {  	[dreg:$0x4] =	wrdreg s16  }
0xb7: {  	[dreg:$0x5] =	wrdreg $0xA  }
0xb8: {  	_ =	task.clear_ibuf [dreg:s8], $0x6FFFF;
	_ =	strace $0x90000046  }
0xb9: {  	s29 =	simm.s32 $0xA;
	_ =	strace $0x80000048  }
0xba: {  	_ =	swait.ge [sflag:s29], $0x1  }
0xbb: {  	[sflag:s29] =	ssyncadd.s32 $0xFFFFFFFF  }
0xbc: {  	_ =	strace $0x90000048  }
0xbd: {  	_ =	sfence  }
0xbe: {  	s30 =	sld [smem:$0x0];
	_ =	sdelay $0x2  }
0xbf: {  	s31 =	sshll.u32 s1, $0xD;
	s1 =	sshrl.u32 s1, $0x2  }
0xc0: {  	s3 =	sand.u32 $0x4000, s31;
	s1 =	sadd.s32 s1, s30  }
0xc1: {  	s0 =	sor.u32 s3, s0;
	s1 =	sshll.u32 s1, $0x11  }
0xc2: {  	s0 =	sor.u32 s1, s0  }
0xc3: {  	s0 =	sadd.s32 $0x8F2B, s0  }
0xc4: {  	[sflag:s0] =	ssyncadd.remote.s32 $0x1  }
0xc5: {  	_ =	sfence.sel $0xFFFF  }
0xc6: {  	[dreg:$0x0] =	wrdreg $0xFFFFFFFF;
	(pc) =	sbr.abs _section_cstart, $3  }
0xc7: {  	[dreg:$0x1] =	wrdreg $0xFFFFFFFF  }
0xc8: {  	_ =	task.clear_ibuf [dreg:s8], $0x2FFFF;
	_ =	strace $0x9FFFFFFF  }
0xc9: {  	(tm) =	ssettm $0x7FFFFFFF  }
tec
execute0_lowered:
.L_overlay_start_1:
0x0: {  	(tag) =	ssettag $0x1  }
0x1: {  	s0 =	rddreg [dreg:$0x0]  }
0x2: {  	s1 =	rddreg [dreg:$0x1]  }
0x3: {  	s3 =	rddreg [dreg:$0x2]  }
0x4: {  	s2 =	simm.s32 $0x0;
	s4 =	srdreg.scid;
	s5 =	stileid.u32  }
0x5: {  	s10 =	simm.s32 $0x80;
	s12 =	simm.s32 $0x480;
	s13 =	simm.s32 $0x880  }
0x6: {  	s11 =	simm.s32 $0x100;
	s15 =	simm.s32 $0x500;
	s16 =	simm.s32 $0x900  }
0x7: {  	s14 =	simm.s32 $0x180;
	s18 =	simm.s32 $0x580;
	s19 =	simm.s32 $0x980  }
0x8: {  	s17 =	simm.s32 $0x200;
	s21 =	simm.s32 $0x600;
	s22 =	simm.s32 $0xA00  }
0x9: {  	s20 =	simm.s32 $0x280;
	p0 =	por $0x0, $0x0;
	s28 =	simm.s32 $0x700  }
0xa: {  	s29 =	simm.s32 $0xB00;
	s30 =	simm.s32 $0x780;
	s4 =	sand.u32 $0x1, s4  }
0xb: {  	s31 =	simm.s32 $0xB80;
	s6 =	sshll.u32 s4, $0x7;
	s4 =	ssub.s32 $0x2, s4  }
0xc: {  	s7 =	simm.s32 $0x1;
	[smem:$0x7FF] =	sst s2;
	s23 =	sshrl.u32 s4, $0x1  }
0xd: {  	s5 =	sshll.u32 s5, $0x8;
	s8 =	sadd.s32 $0x1FC00, s1;
	s25 =	ssub.s32 s4, s23  }
0xe: {  	s9 =	sadd.s32 $0x1200, s1;
	_ =	strace $0x80000047;
	s26 =	smax.u32 s25, $0x1  }
0xf: {  	s5 =	sor.u32 s6, s5;
	s6 =	simm.s32 $0x400;
	p1 =	sne.s32 s26, $0x1  }
.Ltmp0:
0x10: {  	s1 =	sadd.s32 s5, s1;
	s0 =	sadd.s32 s0, s5;
	(pc) =	sbr.rel @!p1 .LBB2_3-.Ltmp0, $4  }
0x11: {  	s24 =	sadd.s32 s3, s5;
	s3 =	simm.s32 $0x2;
	[dreg:$0x4] =	wrdreg s0  }
0x12: {  	s5 =	simm.s32 $0x800;
	s23 =	simm.s32 $0x300;
	[dreg:$0x5] =	wrdreg s24  }
0x13: {  	s4 =	sadd.s32 $0x3E600, s1;
	s24 =	simm.s32 $0x680;
	s25 =	simm.s32 $0xA80  }
0x14: {  	s0 =	sadd.s32 $0xFFFFFFFF, s26;
	s26 =	simm.s32 $0x380;
	s1 =	rddreg [dreg:$0x4]  }
0x15: {  	[tilespmem:s2], [sflag:$0x2] =	stream.linear.gather [hbm4b:s1+s2], $0x400, $0x38;
	[tilespmem:$0xC00] =	vst v63  }
0x16: {  	_ =	swait.ge [sflag:s3], $0x400  }
0x17: {  	[sflag:s3] =	ssyncset.done $0x0  }
0x18: {  	[sflag:s3] =	ssyncadd.s32 $0xFFFFFC00  }
0x19: {  	[tilespmem:s6], [sflag:$0x1] =	stream.indirect.gather [hbm4b:s8+s10], $0x1, s2, s10, $0xb8;
	[tilespmem:$0xC00] =	vst v63  }
0x1a: {  	_ = 	snop  }
0x1b: {  	[tilespmem:s5], [sflag:$0x1] =	stream.indirect.gather [hbm4b:s9+s10], $0x1, s2, s10, $0xb8;
	[tilespmem:$0xC00] =	vst v63  }
0x1c: {  	_ = 	snop  }
0x1d: {  	[tilespmem:s12], [sflag:$0x1] =	stream.indirect.gather [hbm4b:s8+s10], $0x1, s10, s10, $0xb8;
	[tilespmem:$0xC00] =	vst v63  }
0x1e: {  	_ = 	snop  }
0x1f: {  	[tilespmem:s13], [sflag:$0x1] =	stream.indirect.gather [hbm4b:s9+s10], $0x1, s10, s10, $0xb8;
	[tilespmem:$0xC00] =	vst v63  }
0x20: {  	_ = 	snop  }
0x21: {  	[tilespmem:s15], [sflag:$0x1] =	stream.indirect.gather [hbm4b:s8+s10], $0x1, s11, s10, $0xb8;
	[tilespmem:$0xC00] =	vst v63  }
0x22: {  	_ = 	snop  }
0x23: {  	[tilespmem:s16], [sflag:$0x1] =	stream.indirect.gather [hbm4b:s9+s10], $0x1, s11, s10, $0xb8;
	[tilespmem:$0xC00] =	vst v63  }
0x24: {  	_ = 	snop  }
0x25: {  	[tilespmem:s18], [sflag:$0x1] =	stream.indirect.gather [hbm4b:s8+s10], $0x1, s14, s10, $0xb8;
	[tilespmem:$0xC00] =	vst v63  }
0x26: {  	_ = 	snop  }
0x27: {  	[tilespmem:s19], [sflag:$0x1] =	stream.indirect.gather [hbm4b:s9+s10], $0x1, s14, s10, $0xb8;
	[tilespmem:$0xC00] =	vst v63  }
0x28: {  	_ = 	snop  }
0x29: {  	[tilespmem:s21], [sflag:$0x1] =	stream.indirect.gather [hbm4b:s8+s10], $0x1, s17, s10, $0xb8;
	[tilespmem:$0xC00] =	vst v63  }
0x2a: {  	_ = 	snop  }
0x2b: {  	[tilespmem:s22], [sflag:$0x1] =	stream.indirect.gather [hbm4b:s9+s10], $0x1, s17, s10, $0xb8;
	[tilespmem:$0xC00] =	vst v63  }
0x2c: {  	_ = 	snop  }
0x2d: {  	[tilespmem:s24], [sflag:$0x1] =	stream.indirect.gather [hbm4b:s8+s10], $0x1, s20, s10, $0xb8;
	[tilespmem:$0xC00] =	vst v63  }
0x2e: {  	_ = 	snop  }
0x2f: {  	[tilespmem:s25], [sflag:$0x1] =	stream.indirect.gather [hbm4b:s9+s10], $0x1, s20, s10, $0xb8;
	[tilespmem:$0xC00] =	vst v63  }
0x30: {  	_ = 	snop  }
0x31: {  	[tilespmem:s28], [sflag:$0x1] =	stream.indirect.gather [hbm4b:s8+s10], $0x1, s23, s10, $0xb8;
	[tilespmem:$0xC00] =	vst v63  }
0x32: {  	_ = 	snop  }
0x33: {  	[tilespmem:s29], [sflag:$0x1] =	stream.indirect.gather [hbm4b:s9+s10], $0x1, s23, s10, $0xb8;
	[tilespmem:$0xC00] =	vst v63  }
0x34: {  	_ = 	snop  }
0x35: {  	[tilespmem:s30], [sflag:$0x1] =	stream.indirect.gather [hbm4b:s8+s10], $0x1, s26, s10, $0xb8;
	[tilespmem:$0xC00] =	vst v63  }
0x36: {  	_ = 	snop  }
0x37: {  	[tilespmem:s31], [sflag:$0x1] =	stream.indirect.gather [hbm4b:s9+s10], $0x1, s26, s10, $0xb8;
	[tilespmem:$0xC00] =	vst v63  }
0x38: {  	_ =	swait.ge [sflag:s7], $0x80  }
0x39: {  	[sflag:s7] =	ssyncset.done $0x0  }
0x3a: {  	[sflag:s7] =	ssyncadd.s32 $0xFFFFFF80  }
0x3b: {  	_ =	swait.ge [sflag:s7], $0x80  }
0x3c: {  	[sflag:s7] =	ssyncset.done $0x0  }
0x3d: {  	[sflag:s7] =	ssyncadd.s32 $0xFFFFFF80  }
0x3e: {  	_ =	swait.ge [sflag:s7], $0x80  }
0x3f: {  	[sflag:s7] =	ssyncset.done $0x0  }
0x40: {  	[sflag:s7] =	ssyncadd.s32 $0xFFFFFF80  }
0x41: {  	_ =	swait.ge [sflag:s7], $0x80  }
0x42: {  	[sflag:s7] =	ssyncset.done $0x0  }
0x43: {  	[sflag:s7] =	ssyncadd.s32 $0xFFFFFF80  }
0x44: {  	_ =	swait.ge [sflag:s7], $0x80  }
0x45: {  	[sflag:s7] =	ssyncset.done $0x0  }
0x46: {  	[sflag:s7] =	ssyncadd.s32 $0xFFFFFF80  }
0x47: {  	_ =	swait.ge [sflag:s7], $0x80  }
0x48: {  	[sflag:s7] =	ssyncset.done $0x0  }
0x49: {  	[sflag:s7] =	ssyncadd.s32 $0xFFFFFF80  }
0x4a: {  	_ =	swait.ge [sflag:s7], $0x80  }
0x4b: {  	[sflag:s7] =	ssyncset.done $0x0  }
0x4c: {  	[sflag:s7] =	ssyncadd.s32 $0xFFFFFF80  }
0x4d: {  	_ =	swait.ge [sflag:s7], $0x80  }
0x4e: {  	[sflag:s7] =	ssyncset.done $0x0  }
0x4f: {  	[sflag:s7] =	ssyncadd.s32 $0xFFFFFF80  }
0x50: {  	_ =	swait.ge [sflag:s7], $0x80  }
0x51: {  	[sflag:s7] =	ssyncset.done $0x0  }
0x52: {  	[sflag:s7] =	ssyncadd.s32 $0xFFFFFF80  }
0x53: {  	_ =	swait.ge [sflag:s7], $0x80  }
0x54: {  	[sflag:s7] =	ssyncset.done $0x0  }
0x55: {  	[sflag:s7] =	ssyncadd.s32 $0xFFFFFF80  }
0x56: {  	_ =	swait.ge [sflag:s7], $0x80  }
0x57: {  	[sflag:s7] =	ssyncset.done $0x0  }
0x58: {  	[sflag:s7] =	ssyncadd.s32 $0xFFFFFF80  }
0x59: {  	_ =	swait.ge [sflag:s7], $0x80  }
0x5a: {  	[sflag:s7] =	ssyncset.done $0x0  }
0x5b: {  	[sflag:s7] =	ssyncadd.s32 $0xFFFFFF80  }
0x5c: {  	_ =	swait.ge [sflag:s7], $0x80  }
0x5d: {  	[sflag:s7] =	ssyncset.done $0x0  }
0x5e: {  	[sflag:s7] =	ssyncadd.s32 $0xFFFFFF80  }
0x5f: {  	_ =	swait.ge [sflag:s7], $0x80  }
0x60: {  	[sflag:s7] =	ssyncset.done $0x0  }
0x61: {  	[sflag:s7] =	ssyncadd.s32 $0xFFFFFF80  }
0x62: {  	_ =	swait.ge [sflag:s7], $0x80  }
0x63: {  	[sflag:s7] =	ssyncset.done $0x0  }
0x64: {  	[sflag:s7] =	ssyncadd.s32 $0xFFFFFF80  }
0x65: {  	_ =	swait.ge [sflag:s7], $0x80  }
0x66: {  	[sflag:s7] =	ssyncset.done $0x0  }
0x67: {  	s1 =	rddreg [dreg:$0x5];
	[sflag:s7] =	ssyncadd.s32 $0xFFFFFF80  }
0x68: {  	[hbm4b:s1+s2] =	stream.linear.scatter [tilespmem:s6], [sflag:$0x2], $0x400, $0x38;
	[tilespmem:$0xC00] =	vst v63  }
0x69: {  	p1 =	sne.s32 s0, $0x1;
	_ =	swait.ge [sflag:s3], $0x400  }
.Ltmp1:
0x6a: {  	[sflag:s3] =	ssyncset.done $0x0;
	(pc) =	sbr.rel @!p1 .LBB2_3-.Ltmp1, $4  }
0x6b: {  	[sflag:s3] =	ssyncadd.s32 $0xFFFFFC00  }
0x6c: {  	[hbm4b:s4+s2] =	stream.linear.scatter [tilespmem:s5], [sflag:$0x2], $0x400, $0x38;
	[tilespmem:$0xC00] =	vst v63  }
0x6d: {  	s0 =	sadd.s32 $0xFFFFFFFF, s0;
	_ =	swait.ge [sflag:s3], $0x400  }
0x6e: {  	p0 =	por $0x1, $0x1;
	s1 =	rddreg [dreg:$0x4];
	[sflag:s3] =	ssyncset.done $0x0  }
.LBB2_2:
0x6f: {  	[sflag:s3] =	ssyncadd.s32 $0xFFFFFC00  }
0x70: {  	[tilespmem:s2], [sflag:$0x2] =	stream.linear.gather [hbm4b:s1+s2], $0x400, $0x38;
	[tilespmem:$0xC00] =	vst v63  }
0x71: {  	_ =	swait.ge [sflag:s3], $0x400  }
0x72: {  	[sflag:s3] =	ssyncset.done $0x0  }
0x73: {  	[sflag:s3] =	ssyncadd.s32 $0xFFFFFC00  }
0x74: {  	[tilespmem:s6], [sflag:$0x1] =	stream.indirect.gather [hbm4b:s8+s10], $0x1, s2, s10, $0xb8;
	[tilespmem:$0xC00] =	vst v63  }
0x75: {  	_ = 	snop  }
0x76: {  	[tilespmem:s5], [sflag:$0x1] =	stream.indirect.gather [hbm4b:s9+s10], $0x1, s2, s10, $0xb8;
	[tilespmem:$0xC00] =	vst v63  }
0x77: {  	_ = 	snop  }
0x78: {  	[tilespmem:s12], [sflag:$0x1] =	stream.indirect.gather [hbm4b:s8+s10], $0x1, s10, s10, $0xb8;
	[tilespmem:$0xC00] =	vst v63  }
0x79: {  	_ = 	snop  }
0x7a: {  	[tilespmem:s13], [sflag:$0x1] =	stream.indirect.gather [hbm4b:s9+s10], $0x1, s10, s10, $0xb8;
	[tilespmem:$0xC00] =	vst v63  }
0x7b: {  	_ = 	snop  }
0x7c: {  	[tilespmem:s15], [sflag:$0x1] =	stream.indirect.gather [hbm4b:s8+s10], $0x1, s11, s10, $0xb8;
	[tilespmem:$0xC00] =	vst v63  }
0x7d: {  	_ = 	snop  }
0x7e: {  	[tilespmem:s16], [sflag:$0x1] =	stream.indirect.gather [hbm4b:s9+s10], $0x1, s11, s10, $0xb8;
	[tilespmem:$0xC00] =	vst v63  }
0x7f: {  	_ = 	snop  }
0x80: {  	[tilespmem:s18], [sflag:$0x1] =	stream.indirect.gather [hbm4b:s8+s10], $0x1, s14, s10, $0xb8;
	[tilespmem:$0xC00] =	vst v63  }
0x81: {  	_ = 	snop  }
0x82: {  	[tilespmem:s19], [sflag:$0x1] =	stream.indirect.gather [hbm4b:s9+s10], $0x1, s14, s10, $0xb8;
	[tilespmem:$0xC00] =	vst v63  }
0x83: {  	_ = 	snop  }
0x84: {  	[tilespmem:s21], [sflag:$0x1] =	stream.indirect.gather [hbm4b:s8+s10], $0x1, s17, s10, $0xb8;
	[tilespmem:$0xC00] =	vst v63  }
0x85: {  	_ = 	snop  }
0x86: {  	[tilespmem:s22], [sflag:$0x1] =	stream.indirect.gather [hbm4b:s9+s10], $0x1, s17, s10, $0xb8;
	[tilespmem:$0xC00] =	vst v63  }
0x87: {  	_ = 	snop  }
0x88: {  	[tilespmem:s24], [sflag:$0x1] =	stream.indirect.gather [hbm4b:s8+s10], $0x1, s20, s10, $0xb8;
	[tilespmem:$0xC00] =	vst v63  }
0x89: {  	_ = 	snop  }
0x8a: {  	[tilespmem:s25], [sflag:$0x1] =	stream.indirect.gather [hbm4b:s9+s10], $0x1, s20, s10, $0xb8;
	[tilespmem:$0xC00] =	vst v63  }
0x8b: {  	_ = 	snop  }
0x8c: {  	[tilespmem:s28], [sflag:$0x1] =	stream.indirect.gather [hbm4b:s8+s10], $0x1, s23, s10, $0xb8;
	[tilespmem:$0xC00] =	vst v63  }
0x8d: {  	_ = 	snop  }
0x8e: {  	[tilespmem:s29], [sflag:$0x1] =	stream.indirect.gather [hbm4b:s9+s10], $0x1, s23, s10, $0xb8;
	[tilespmem:$0xC00] =	vst v63  }
0x8f: {  	_ = 	snop  }
0x90: {  	[tilespmem:s30], [sflag:$0x1] =	stream.indirect.gather [hbm4b:s8+s10], $0x1, s26, s10, $0xb8;
	[tilespmem:$0xC00] =	vst v63  }
0x91: {  	_ = 	snop  }
0x92: {  	[tilespmem:s31], [sflag:$0x1] =	stream.indirect.gather [hbm4b:s9+s10], $0x1, s26, s10, $0xb8;
	[tilespmem:$0xC00] =	vst v63  }
0x93: {  	_ =	swait.ge [sflag:s7], $0x80  }
0x94: {  	[sflag:s7] =	ssyncset.done $0x0  }
0x95: {  	[sflag:s7] =	ssyncadd.s32 $0xFFFFFF80  }
0x96: {  	_ =	swait.ge [sflag:s7], $0x80  }
0x97: {  	[sflag:s7] =	ssyncset.done $0x0  }
0x98: {  	[sflag:s7] =	ssyncadd.s32 $0xFFFFFF80  }
0x99: {  	_ =	swait.ge [sflag:s7], $0x80  }
0x9a: {  	[sflag:s7] =	ssyncset.done $0x0  }
0x9b: {  	[sflag:s7] =	ssyncadd.s32 $0xFFFFFF80  }
0x9c: {  	_ =	swait.ge [sflag:s7], $0x80  }
0x9d: {  	[sflag:s7] =	ssyncset.done $0x0  }
0x9e: {  	[sflag:s7] =	ssyncadd.s32 $0xFFFFFF80  }
0x9f: {  	_ =	swait.ge [sflag:s7], $0x80  }
0xa0: {  	[sflag:s7] =	ssyncset.done $0x0  }
0xa1: {  	[sflag:s7] =	ssyncadd.s32 $0xFFFFFF80  }
0xa2: {  	_ =	swait.ge [sflag:s7], $0x80  }
0xa3: {  	[sflag:s7] =	ssyncset.done $0x0  }
0xa4: {  	[sflag:s7] =	ssyncadd.s32 $0xFFFFFF80  }
0xa5: {  	_ =	swait.ge [sflag:s7], $0x80  }
0xa6: {  	[sflag:s7] =	ssyncset.done $0x0  }
0xa7: {  	[sflag:s7] =	ssyncadd.s32 $0xFFFFFF80  }
0xa8: {  	_ =	swait.ge [sflag:s7], $0x80  }
0xa9: {  	[sflag:s7] =	ssyncset.done $0x0  }
0xaa: {  	[sflag:s7] =	ssyncadd.s32 $0xFFFFFF80  }
0xab: {  	_ =	swait.ge [sflag:s7], $0x80  }
0xac: {  	[sflag:s7] =	ssyncset.done $0x0  }
0xad: {  	[sflag:s7] =	ssyncadd.s32 $0xFFFFFF80  }
0xae: {  	_ =	swait.ge [sflag:s7], $0x80  }
0xaf: {  	[sflag:s7] =	ssyncset.done $0x0  }
0xb0: {  	[sflag:s7] =	ssyncadd.s32 $0xFFFFFF80  }
0xb1: {  	_ =	swait.ge [sflag:s7], $0x80  }
0xb2: {  	[sflag:s7] =	ssyncset.done $0x0  }
0xb3: {  	[sflag:s7] =	ssyncadd.s32 $0xFFFFFF80  }
0xb4: {  	_ =	swait.ge [sflag:s7], $0x80  }
0xb5: {  	[sflag:s7] =	ssyncset.done $0x0  }
0xb6: {  	[sflag:s7] =	ssyncadd.s32 $0xFFFFFF80  }
0xb7: {  	_ =	swait.ge [sflag:s7], $0x80  }
0xb8: {  	[sflag:s7] =	ssyncset.done $0x0  }
0xb9: {  	[sflag:s7] =	ssyncadd.s32 $0xFFFFFF80  }
0xba: {  	_ =	swait.ge [sflag:s7], $0x80  }
0xbb: {  	[sflag:s7] =	ssyncset.done $0x0  }
0xbc: {  	[sflag:s7] =	ssyncadd.s32 $0xFFFFFF80  }
0xbd: {  	_ =	swait.ge [sflag:s7], $0x80  }
0xbe: {  	[sflag:s7] =	ssyncset.done $0x0  }
0xbf: {  	[sflag:s7] =	ssyncadd.s32 $0xFFFFFF80  }
0xc0: {  	_ =	swait.ge [sflag:s7], $0x80  }
0xc1: {  	[sflag:s7] =	ssyncset.done $0x0  }
0xc2: {  	s1 =	rddreg [dreg:$0x5];
	[sflag:s7] =	ssyncadd.s32 $0xFFFFFF80  }
0xc3: {  	[hbm4b:s1+s2] =	stream.linear.scatter [tilespmem:s6], [sflag:$0x2], $0x400, $0x38;
	[tilespmem:$0xC00] =	vst v63  }
0xc4: {  	p1 =	sne.s32 s0, $0x1;
	_ =	swait.ge [sflag:s3], $0x400  }
.Ltmp2:
0xc5: {  	[sflag:s3] =	ssyncset.done $0x0;
	(pc) =	sbr.rel @p1 .LBB2_2-.Ltmp2, $4  }
0xc6: {  	[sflag:s3] =	ssyncadd.s32 $0xFFFFFC00  }
0xc7: {  	[hbm4b:s4+s2] =	stream.linear.scatter [tilespmem:s5], [sflag:$0x2], $0x400, $0x38;
	[tilespmem:$0xC00] =	vst v63  }
0xc8: {  	_ =	swait.ge [sflag:s3], $0x400  }
0xc9: {  	s0 =	sadd.s32 $0xFFFFFFFF, s0;
	s1 =	rddreg [dreg:$0x4];
	[sflag:s3] =	ssyncset.done $0x0  }
.LBB2_3:
0xca: {  	[sflag:s3] =	ssyncadd.s32 @p0 $0xFFFFFC00  }
0xcb: {  	[tilespmem:s2], [sflag:$0x2] =	stream.linear.gather [hbm4b:s1+s2], $0x400, $0x38;
	[tilespmem:$0xC00] =	vst v63  }
0xcc: {  	_ =	swait.ge [sflag:s3], $0x400  }
0xcd: {  	[sflag:s3] =	ssyncset.done $0x0  }
0xce: {  	[sflag:s3] =	ssyncadd.s32 $0xFFFFFC00  }
0xcf: {  	[tilespmem:s6], [sflag:$0x1] =	stream.indirect.gather [hbm4b:s8+s10], $0x1, s2, s10, $0xb8;
	[tilespmem:$0xC00] =	vst v63  }
0xd0: {  	_ = 	snop  }
0xd1: {  	[tilespmem:s5], [sflag:$0x1] =	stream.indirect.gather [hbm4b:s9+s10], $0x1, s2, s10, $0xb8;
	[tilespmem:$0xC00] =	vst v63  }
0xd2: {  	_ = 	snop  }
0xd3: {  	[tilespmem:s12], [sflag:$0x1] =	stream.indirect.gather [hbm4b:s8+s10], $0x1, s10, s10, $0xb8;
	[tilespmem:$0xC00] =	vst v63  }
0xd4: {  	_ = 	snop  }
0xd5: {  	[tilespmem:s13], [sflag:$0x1] =	stream.indirect.gather [hbm4b:s9+s10], $0x1, s10, s10, $0xb8;
	[tilespmem:$0xC00] =	vst v63  }
0xd6: {  	_ = 	snop  }
0xd7: {  	[tilespmem:s15], [sflag:$0x1] =	stream.indirect.gather [hbm4b:s8+s10], $0x1, s11, s10, $0xb8;
	[tilespmem:$0xC00] =	vst v63  }
0xd8: {  	_ = 	snop  }
0xd9: {  	[tilespmem:s16], [sflag:$0x1] =	stream.indirect.gather [hbm4b:s9+s10], $0x1, s11, s10, $0xb8;
	[tilespmem:$0xC00] =	vst v63  }
0xda: {  	_ = 	snop  }
0xdb: {  	[tilespmem:s18], [sflag:$0x1] =	stream.indirect.gather [hbm4b:s8+s10], $0x1, s14, s10, $0xb8;
	[tilespmem:$0xC00] =	vst v63  }
0xdc: {  	_ = 	snop  }
0xdd: {  	[tilespmem:s19], [sflag:$0x1] =	stream.indirect.gather [hbm4b:s9+s10], $0x1, s14, s10, $0xb8;
	[tilespmem:$0xC00] =	vst v63  }
0xde: {  	_ = 	snop  }
0xdf: {  	[tilespmem:s21], [sflag:$0x1] =	stream.indirect.gather [hbm4b:s8+s10], $0x1, s17, s10, $0xb8;
	[tilespmem:$0xC00] =	vst v63  }
0xe0: {  	_ = 	snop  }
0xe1: {  	[tilespmem:s22], [sflag:$0x1] =	stream.indirect.gather [hbm4b:s9+s10], $0x1, s17, s10, $0xb8;
	[tilespmem:$0xC00] =	vst v63  }
0xe2: {  	_ = 	snop  }
0xe3: {  	[tilespmem:s24], [sflag:$0x1] =	stream.indirect.gather [hbm4b:s8+s10], $0x1, s20, s10, $0xb8;
	[tilespmem:$0xC00] =	vst v63  }
0xe4: {  	_ = 	snop  }
0xe5: {  	[tilespmem:s25], [sflag:$0x1] =	stream.indirect.gather [hbm4b:s9+s10], $0x1, s20, s10, $0xb8;
	[tilespmem:$0xC00] =	vst v63  }
0xe6: {  	_ = 	snop  }
0xe7: {  	[tilespmem:s28], [sflag:$0x1] =	stream.indirect.gather [hbm4b:s8+s10], $0x1, s23, s10, $0xb8;
	[tilespmem:$0xC00] =	vst v63  }
0xe8: {  	_ = 	snop  }
0xe9: {  	[tilespmem:s29], [sflag:$0x1] =	stream.indirect.gather [hbm4b:s9+s10], $0x1, s23, s10, $0xb8;
	[tilespmem:$0xC00] =	vst v63  }
0xea: {  	_ = 	snop  }
0xeb: {  	[tilespmem:s30], [sflag:$0x1] =	stream.indirect.gather [hbm4b:s8+s10], $0x1, s26, s10, $0xb8;
	[tilespmem:$0xC00] =	vst v63  }
0xec: {  	_ = 	snop  }
0xed: {  	[tilespmem:s31], [sflag:$0x1] =	stream.indirect.gather [hbm4b:s9+s10], $0x1, s26, s10, $0xb8;
	[tilespmem:$0xC00] =	vst v63  }
0xee: {  	_ =	swait.ge [sflag:s7], $0x80  }
0xef: {  	[sflag:s7] =	ssyncset.done $0x0  }
0xf0: {  	[sflag:s7] =	ssyncadd.s32 $0xFFFFFF80  }
0xf1: {  	_ =	swait.ge [sflag:s7], $0x80  }
0xf2: {  	[sflag:s7] =	ssyncset.done $0x0  }
0xf3: {  	[sflag:s7] =	ssyncadd.s32 $0xFFFFFF80  }
0xf4: {  	_ =	swait.ge [sflag:s7], $0x80  }
0xf5: {  	[sflag:s7] =	ssyncset.done $0x0  }
0xf6: {  	[sflag:s7] =	ssyncadd.s32 $0xFFFFFF80  }
0xf7: {  	_ =	swait.ge [sflag:s7], $0x80  }
0xf8: {  	[sflag:s7] =	ssyncset.done $0x0  }
0xf9: {  	[sflag:s7] =	ssyncadd.s32 $0xFFFFFF80  }
0xfa: {  	_ =	swait.ge [sflag:s7], $0x80  }
0xfb: {  	[sflag:s7] =	ssyncset.done $0x0  }
0xfc: {  	[sflag:s7] =	ssyncadd.s32 $0xFFFFFF80  }
0xfd: {  	_ =	swait.ge [sflag:s7], $0x80  }
0xfe: {  	[sflag:s7] =	ssyncset.done $0x0  }
0xff: {  	[sflag:s7] =	ssyncadd.s32 $0xFFFFFF80  }
0x100: {  	_ =	swait.ge [sflag:s7], $0x80  }
0x101: {  	[sflag:s7] =	ssyncset.done $0x0  }
0x102: {  	[sflag:s7] =	ssyncadd.s32 $0xFFFFFF80  }
0x103: {  	_ =	swait.ge [sflag:s7], $0x80  }
0x104: {  	[sflag:s7] =	ssyncset.done $0x0  }
0x105: {  	[sflag:s7] =	ssyncadd.s32 $0xFFFFFF80  }
0x106: {  	_ =	swait.ge [sflag:s7], $0x80  }
0x107: {  	[sflag:s7] =	ssyncset.done $0x0  }
0x108: {  	[sflag:s7] =	ssyncadd.s32 $0xFFFFFF80  }
0x109: {  	_ =	swait.ge [sflag:s7], $0x80  }
0x10a: {  	[sflag:s7] =	ssyncset.done $0x0  }
0x10b: {  	[sflag:s7] =	ssyncadd.s32 $0xFFFFFF80  }
0x10c: {  	_ =	swait.ge [sflag:s7], $0x80  }
0x10d: {  	[sflag:s7] =	ssyncset.done $0x0  }
0x10e: {  	[sflag:s7] =	ssyncadd.s32 $0xFFFFFF80  }
0x10f: {  	_ =	swait.ge [sflag:s7], $0x80  }
0x110: {  	[sflag:s7] =	ssyncset.done $0x0  }
0x111: {  	[sflag:s7] =	ssyncadd.s32 $0xFFFFFF80  }
0x112: {  	_ =	swait.ge [sflag:s7], $0x80  }
0x113: {  	[sflag:s7] =	ssyncset.done $0x0  }
0x114: {  	[sflag:s7] =	ssyncadd.s32 $0xFFFFFF80  }
0x115: {  	_ =	swait.ge [sflag:s7], $0x80  }
0x116: {  	[sflag:s7] =	ssyncset.done $0x0  }
0x117: {  	[sflag:s7] =	ssyncadd.s32 $0xFFFFFF80  }
0x118: {  	_ =	swait.ge [sflag:s7], $0x80  }
0x119: {  	[sflag:s7] =	ssyncset.done $0x0  }
0x11a: {  	[sflag:s7] =	ssyncadd.s32 $0xFFFFFF80  }
0x11b: {  	_ =	swait.ge [sflag:s7], $0x80  }
0x11c: {  	[sflag:s7] =	ssyncset.done $0x0  }
0x11d: {  	s0 =	rddreg [dreg:$0x5];
	[sflag:s7] =	ssyncadd.s32 $0xFFFFFF80  }
0x11e: {  	[hbm4b:s0+s2] =	stream.linear.scatter [tilespmem:s6], [sflag:$0x2], $0x400, $0x38;
	[tilespmem:$0xC00] =	vst v63  }
0x11f: {  	_ =	swait.ge [sflag:s3], $0x400  }
0x120: {  	[sflag:s3] =	ssyncset.done $0x0  }
0x121: {  	[sflag:s3] =	ssyncadd.s32 $0xFFFFFC00  }
0x122: {  	[hbm4b:s4+s2] =	stream.linear.scatter [tilespmem:s5], [sflag:$0x2], $0x400, $0x38;
	[tilespmem:$0xC00] =	vst v63  }
0x123: {  	_ =	swait.ge [sflag:s3], $0x400  }
0x124: {  	[sflag:s3] =	ssyncset.done $0x0  }
0x125: {  	[sflag:s3] =	ssyncadd.s32 $0xFFFFFC00  }
0x126: {  	_ =	sfence.sel $0x180000  }
0x127: {  	[bflag:$0x0] =	sbarrier.arrive $0xFFFF  }
0x128: {  	_ =	strace $0x90000047  }
0x129: {  	s31 =	stileid.u32;
	[bflag:$0x2] =	sbarrier.arrive $0xFFFF  }
0x12a: {  	p0 =	sne.s32 s31, $0x0;
	s0 =	rddreg [dreg:$0x3]  }
0x12b: {  	s0 =	sadd.s32 @!p0 $0x100000, s0  }
0x12c: {  	[sflag:s0] =	ssyncadd.tile.s32 @!p0 $0x1;
	_ =	shalt  }
.Lfunc_end2:
_tile_overlayer_lowered:
.L_overlay_start_2:
0x12d: {  	(tag) =	ssettag $0x2  }
0x12e: {  	s0 =	rddreg [dreg:$0x0];
	s2 =	stileid.u32  }
0x12f: {  	s1 =	rddreg [dreg:$0x1];
	p0 =	sne.s32 s2, $0x0  }
0x130: {  	s3 =	rddreg [dreg:$0x2];
	[bflag:$0x3] =	sbarrier.arrive $0xFFFF;
	s2 =	simm.s32 @!p0 $0x1C02  }
0x131: {  	[timem:s3], [sflag:s2] =	dma.local @!p0 [hbm:s0], s1  }
0x132: {  	s0 =	simm.s32 @!p0 $0x2  }
0x133: {  	_ =	swait.ge @!p0 [sflag:s0], s1  }
0x134: {  	s1 =	ssub.s32 @!p0 $0x0, s1;
	[sflag:s0] =	ssyncset.done @!p0 $0x0  }
0x135: {  	[sflag:s0] =	ssyncadd.s32 @!p0 s1  }
0x136: {  	[bflag:$0x3] =	sbarrier.arrive $0xFFFF  }
0x137: {  	_ =	shalt  }

</sc_bundles>
